<compile_context>
chip_gen: v7x
topology: tpu7x:2x2x1
jax: 0.10.2.dev20260603
libtpu: 0.0.44.dev20260713+nightly
codegen_flags: <defaults>
</compile_context>

<pallas_src>
import functools

import jax
import jax.numpy as jnp
from jax import lax
from jax.experimental import pallas as pl
from jax.experimental.pallas import tpu as pltpu
from jax.experimental.pallas import tpu_sc as plsc

D = 768
E = 64
T = 2048
H = 4 * D
TT = 64
NW = 32
BPW = T // NW


def _router_body(x_ref, wr_ref, br_ref, pos_ref, starts_ref, aux_ref, z_ref):
    x = x_ref[...]
    logits = lax.dot_general(
        x, wr_ref[...], (((1,), (1,)), ((), ())),
        preferred_element_type=jnp.float32) + br_ref[...][None, :]
    m = jnp.max(logits, axis=1, keepdims=True)
    ecol = lax.broadcasted_iota(jnp.int32, (T, E), 1)
    eid = jnp.min(jnp.where(logits == m, ecol, E), axis=1, keepdims=True)
    onehot = (ecol == eid).astype(jnp.float32)

    z = m[:, 0] + jnp.log(jnp.sum(jnp.exp(logits - m), axis=1))
    z_ref[...] = jnp.mean(z * z).reshape(1, 1)

    counts = jnp.sum(onehot, axis=0, keepdims=True)
    frac = counts * (1.0 / T)
    aux_ref[...] = (E * jnp.sum(frac * frac)).reshape(1, 1)

    r_e = lax.broadcasted_iota(jnp.int32, (E, E + 1), 0)
    c_e = lax.broadcasted_iota(jnp.int32, (E, E + 1), 1)
    starts = lax.dot_general(
        counts, (r_e < c_e).astype(jnp.float32), (((1,), (0,)), ((), ())),
        preferred_element_type=jnp.float32)
    starts_ref[...] = starts.astype(jnp.int32)

    C = 256
    r_c = lax.broadcasted_iota(jnp.int32, (C, C), 0)
    c_c = lax.broadcasted_iota(jnp.int32, (C, C), 1)
    tri = (c_c < r_c).astype(jnp.float32)
    sbase = starts[:, :E]
    acc = jnp.zeros((1, E), jnp.float32)
    for j in range(T // C):
        oh_j = onehot[j * C:(j + 1) * C, :]
        prior_j = lax.dot_general(
            tri, oh_j, (((1,), (0,)), ((), ())),
            preferred_element_type=jnp.float32) + acc
        posf_j = jnp.sum(oh_j * (sbase + prior_j), axis=1)
        pos_ref[j * C:(j + 1) * C, :] = posf_j.astype(jnp.int32)[:, None]
        acc = acc + jnp.sum(oh_j, axis=0, keepdims=True)


def _router(flat_x, wr, br):
    return pl.pallas_call(
        _router_body,
        out_shape=(
            jax.ShapeDtypeStruct((T, 1), jnp.int32),
            jax.ShapeDtypeStruct((1, E + 1), jnp.int32),
            jax.ShapeDtypeStruct((1, 1), jnp.float32),
            jax.ShapeDtypeStruct((1, 1), jnp.float32),
        ),
    )(flat_x, wr, br)


def _ffn_body(starts_ref, xs_ref, w1_ref, b1_ref, w2_ref, b2_ref, out_ref):
    e = pl.program_id(0)
    start = starts_ref[e]
    end = starts_ref[e + 1]
    astart = (start // 8) * 8
    nt = (end - astart + TT - 1) // TT

    def body(i, carry):
        base = pl.multiple_of(jnp.minimum(astart + i * TT, T - TT), 8)
        rows = xs_ref[pl.ds(base, TT), :]
        h = lax.dot_general(rows, w1_ref[0], (((1,), (1,)), ((), ())),
                            preferred_element_type=jnp.float32) + b1_ref[0]
        h = jnp.maximum(h, 0.0)
        o = lax.dot_general(h, w2_ref[0], (((1,), (1,)), ((), ())),
                            preferred_element_type=jnp.float32) + b2_ref[0]
        rid = base + lax.broadcasted_iota(jnp.int32, (TT, 1), 0)
        mask = (rid >= start) & (rid < end)
        old = out_ref[pl.ds(base, TT), :]
        out_ref[pl.ds(base, TT), :] = jnp.where(mask, o, old)
        return carry

    lax.fori_loop(0, nt, body, 0)


def _ffn(starts, xs, w1, b1, w2, b2):
    return pl.pallas_call(
        _ffn_body,
        grid=(E,),
        in_specs=[
            pl.BlockSpec(memory_space=pltpu.SMEM),
            pl.BlockSpec((T, D), lambda e: (0, 0)),
            pl.BlockSpec((1, H, D), lambda e: (e, 0, 0)),
            pl.BlockSpec((1, 1, H), lambda e: (e, 0, 0)),
            pl.BlockSpec((1, D, H), lambda e: (e, 0, 0)),
            pl.BlockSpec((1, 1, D), lambda e: (e, 0, 0)),
        ],
        out_specs=pl.BlockSpec((T, D), lambda e: (0, 0)),
        out_shape=jax.ShapeDtypeStruct((T, D), jnp.float32),
        compiler_params=pltpu.CompilerParams(
            dimension_semantics=("arbitrary",),
            vmem_limit_bytes=100 * 1024 * 1024),
    )(starts, xs, w1, b1.reshape(E, 1, H), w2, b2.reshape(E, 1, D))


def _sc_mesh():
    return plsc.VectorSubcoreMesh(core_axis_name="c", subcore_axis_name="s")


@functools.cache
def _sc_scatter():
    @functools.partial(
        pl.kernel,
        out_type=jax.ShapeDtypeStruct((T, D), jnp.float32),
        mesh=_sc_mesh(),
        scratch_types=[
            pltpu.VMEM((BPW,), jnp.int32),
            pltpu.VMEM((BPW, D), jnp.float32),
            pltpu.SemaphoreType.DMA,
        ],
    )
    def k(x_hbm, pos_hbm, out_hbm, idx_v, rows_v, sem):
        wid = lax.axis_index("s") * 2 + lax.axis_index("c")
        base = wid * BPW
        pltpu.sync_copy(pos_hbm.at[pl.ds(base, BPW)], idx_v)
        pltpu.sync_copy(x_hbm.at[pl.ds(base, BPW)], rows_v)
        pltpu.async_copy(rows_v, out_hbm.at[idx_v], sem).wait()

    return k


@functools.cache
def _sc_gather():
    @functools.partial(
        pl.kernel,
        out_type=jax.ShapeDtypeStruct((T, D), jnp.float32),
        mesh=_sc_mesh(),
        scratch_types=[
            pltpu.VMEM((BPW,), jnp.int32),
            pltpu.VMEM((BPW, D), jnp.float32),
            pltpu.SemaphoreType.DMA,
        ],
    )
    def k(src_hbm, pos_hbm, out_hbm, idx_v, rows_v, sem):
        wid = lax.axis_index("s") * 2 + lax.axis_index("c")
        base = wid * BPW
        pltpu.sync_copy(pos_hbm.at[pl.ds(base, BPW)], idx_v)
        pltpu.async_copy(src_hbm.at[idx_v], rows_v, sem).wait()
        pltpu.sync_copy(rows_v, out_hbm.at[pl.ds(base, BPW)])

    return k


def kernel(x, Wr, br, W1, b1, W2, b2):
    flat_x = x.reshape(T, D)
    pos2d, starts2d, aux, z = _router(flat_x, Wr, br)
    pos = pos2d.reshape(T)
    starts = starts2d.reshape(E + 1)
    xs = _sc_scatter()(flat_x, pos)
    outs = _ffn(starts, xs, W1, b1, W2, b2)
    final = _sc_gather()(outs, pos)
    return final.reshape(x.shape), aux.reshape(()), z.reshape(())

# --- scband reference (transcript-rebuilt; emitter-appended) ---
"""Pipeline reference for scband-sparse-mo-e-55559696941273 (READ-ONLY COPY).

The authoritative reference and input builder live on the scoring server;
editing this copy changes nothing except your own understanding.
"""

import jax, jax.numpy as jnp
import numpy as np

N_EMBED = 768
NUM_EXPERTS = 64
TOP_K = 1
B, T = 1, 2048


def setup_inputs(seed: int = 0) -> dict:
    key = jax.random.key(seed)
    ks = jax.random.split(key, 5)
    d, E, h = N_EMBED, NUM_EXPERTS, 4 * N_EMBED
    x = jax.random.normal(ks[0], (B, T, d), dtype=jnp.float32)
    Wr = jax.random.normal(ks[1], (E, d), dtype=jnp.float32) * 0.02
    br = jnp.zeros((E,), dtype=jnp.float32)
    W1 = jax.random.normal(ks[2], (E, h, d), dtype=jnp.float32) * 0.02
    b1 = jnp.zeros((E, h), dtype=jnp.float32)
    W2 = jax.random.normal(ks[3], (E, d, h), dtype=jnp.float32) * 0.02
    b2 = jnp.zeros((E, d), dtype=jnp.float32)
    return {"x": x, "Wr": Wr, "br": br, "W1": W1, "b1": b1, "W2": W2, "b2": b2}


def reference(x, Wr, br, W1, b1, W2, b2):
    Bs, Ts, d = x.shape
    E, K = NUM_EXPERTS, TOP_K
    # Router (TopkRouter): linear -> topk -> sparse scatter -> softmax
    logits = x @ Wr.T + br                              # (B, T, E)
    topv, topi = jax.lax.top_k(logits, K)               # (B, T, K)
    flat_logits = logits.reshape(-1, E)
    flat_topi = topi.reshape(-1, K)
    flat_topv = topv.reshape(-1, K)
    rows = jnp.arange(flat_logits.shape[0])[:, None]
    sparse = jnp.full_like(flat_logits, -jnp.inf).at[rows, flat_topi].set(flat_topv)
    gating = jax.nn.softmax(sparse, axis=-1)            # (B*T, E), zeros off top-k
    # Switch aux loss (tokens_per_expert is non-differentiable / no_grad)
    one_hot = jax.nn.one_hot(topi, E, dtype=jnp.float32).sum(axis=2)   # (B, T, E)
    tokens_per_expert = jax.lax.stop_gradient(one_hot.mean(axis=(0, 1)))
    prob_per_expert = gating.reshape(Bs, Ts, E).mean(axis=(0, 1))
    aux_loss = E * jnp.sum(prob_per_expert * tokens_per_expert)
    # ST-MoE router z-loss
    z_loss = jnp.mean(jax.nn.logsumexp(logits, axis=-1) ** 2.0)
    # Expert dispatch: gather selected tokens, run FFN, scale by gate, scatter-add back
    flat_x = x.reshape(-1, d)
    final = jnp.zeros_like(flat_x)

    def expert_step(carry, params):
        W1i, b1i, W2i, b2i, gi = params
        hdn = jax.nn.relu(flat_x @ W1i.T + b1i)          # Linear(d -> 4d) + ReLU (dropout = eval identity)
        out = hdn @ W2i.T + b2i                          # Linear(4d -> d)
        g = gi[:, None]
        return carry + out * g, None

    final, _ = jax.lax.scan(expert_step, final, (W1, b1, W2, b2, gating.T))
    return final.reshape(Bs, Ts, d), aux_loss, z_loss

if __name__ == "__main__":
    import jax
    _d = setup_inputs()
    print(jax.jit(kernel)(*tuple(_d.values())))

</pallas_src>

<mosaic_0001>
#map = affine_map<(d0, d1) -> (0, 0)>
#map1 = affine_map<(d0, d1) -> (0)>
module attributes {stable_mosaic.version = 14 : i64} {
  func.func @k(%arg0: i32, %arg1: i32, %arg2: memref<2048x768xf32, #tpu.memory_space<hbm>>, %arg3: memref<2048xi32, #tpu.memory_space<hbm>>, %arg4: memref<2048x768xf32, #tpu.memory_space<hbm>>, %arg5: memref<64xi32, #tpu.memory_space<vmem>>, %arg6: memref<64x768xf32, #tpu.memory_space<vmem>>, %arg7: memref<!tpu.dma_semaphore, #tpu.memory_space<semaphore_mem>>) attributes {dimension_semantics = [#tpu.dimension_semantics<core_parallel>, #tpu.dimension_semantics<subcore_parallel>], iteration_bounds = array<i64: 2, 16>, scalar_prefetch = 0 : i64, scratch_operands = 3 : i64, tpu.core_type = #tpu.core_type<sc_vector_subcore>, window_params = [{transform_indices = #map}, {transform_indices = #map1}, {transform_indices = #map}]} {
    %mul3A = arith.constant 2 : i32
    %mul3A_0 = arith.muli %arg1, %mul3A : i32
    %add3A = arith.addi %mul3A_0, %arg0 : i32
    %mul3A_1 = arith.constant 64 : i32
    %mul3A_2 = arith.muli %add3A, %mul3A_1 : i32
    "tpu.region"() ({
      %run_scoped3A = tpu.sem_alloc : memref<!tpu.dma_semaphore, #tpu.memory_space<semaphore_mem>>
      %dma_start3A_7 = tpu.memref_slice %arg3[%mul3A_2] : memref<2048xi32, #tpu.memory_space<hbm>> -> memref<64xi32, #tpu.memory_space<hbm>>
      %dma_start3A_8 = tpu.memref_slice %arg3[%mul3A_2] : memref<2048xi32, #tpu.memory_space<hbm>> -> memref<64xi32, #tpu.memory_space<hbm>>
      tpu.enqueue_dma source(%dma_start3A_8 : memref<64xi32, #tpu.memory_space<hbm>>) target(%arg5 : memref<64xi32, #tpu.memory_space<vmem>>) target_semaphore(%run_scoped3A : memref<!tpu.dma_semaphore, #tpu.memory_space<semaphore_mem>>)
      %dma_wait3A_9 = tpu.memref_slice %arg3[%mul3A_2] : memref<2048xi32, #tpu.memory_space<hbm>> -> memref<64xi32, #tpu.memory_space<hbm>>
      %dma_wait3A_10 = tpu.memref_slice %arg3[%mul3A_2] : memref<2048xi32, #tpu.memory_space<hbm>> -> memref<64xi32, #tpu.memory_space<hbm>>
      tpu.wait_dma2 semaphore(%run_scoped3A : memref<!tpu.dma_semaphore, #tpu.memory_space<semaphore_mem>>) src(%dma_wait3A_10 : memref<64xi32, #tpu.memory_space<hbm>>) dst(%arg5 : memref<64xi32, #tpu.memory_space<vmem>>)
      tpu.yield
    }) : () -> ()
    "tpu.region"() ({
      %run_scoped3A = tpu.sem_alloc : memref<!tpu.dma_semaphore, #tpu.memory_space<semaphore_mem>>
      %dma_start3A_7 = arith.constant 0 : i32
      %dma_start3A_8 = tpu.memref_slice %arg2[%mul3A_2, %dma_start3A_7] : memref<2048x768xf32, #tpu.memory_space<hbm>> -> memref<64x768xf32, #tpu.memory_space<hbm>>
      %dma_start3A_9 = arith.constant 0 : i32
      %dma_start3A_10 = tpu.memref_slice %arg2[%mul3A_2, %dma_start3A_9] : memref<2048x768xf32, #tpu.memory_space<hbm>> -> memref<64x768xf32, #tpu.memory_space<hbm>>
      tpu.enqueue_dma source(%dma_start3A_10 : memref<64x768xf32, #tpu.memory_space<hbm>>) target(%arg6 : memref<64x768xf32, #tpu.memory_space<vmem>>) target_semaphore(%run_scoped3A : memref<!tpu.dma_semaphore, #tpu.memory_space<semaphore_mem>>)
      %dma_wait3A_11 = arith.constant 0 : i32
      %dma_wait3A_12 = tpu.memref_slice %arg2[%mul3A_2, %dma_wait3A_11] : memref<2048x768xf32, #tpu.memory_space<hbm>> -> memref<64x768xf32, #tpu.memory_space<hbm>>
      %dma_wait3A_13 = arith.constant 0 : i32
      %dma_wait3A_14 = tpu.memref_slice %arg2[%mul3A_2, %dma_wait3A_13] : memref<2048x768xf32, #tpu.memory_space<hbm>> -> memref<64x768xf32, #tpu.memory_space<hbm>>
      tpu.wait_dma2 semaphore(%run_scoped3A : memref<!tpu.dma_semaphore, #tpu.memory_space<semaphore_mem>>) src(%dma_wait3A_14 : memref<64x768xf32, #tpu.memory_space<hbm>>) dst(%arg6 : memref<64x768xf32, #tpu.memory_space<vmem>>)
      tpu.yield
    }) : () -> ()
    %dma_start3A = arith.constant 0 : i32
    %dma_start3A_3 = arith.constant 0 : i32
    %dma_start3A_4 = tpu.memref_slice %arg4[%dma_start3A, %dma_start3A_3] : memref<2048x768xf32, #tpu.memory_space<hbm>> -> memref<2048x768xf32, #tpu.memory_space<hbm>>
    tpu.enqueue_indirect_dma source(%arg6 : memref<64x768xf32, #tpu.memory_space<vmem>>) target(%dma_start3A_4 : memref<2048x768xf32, #tpu.memory_space<hbm>>) offsets(%arg5 : memref<64xi32, #tpu.memory_space<vmem>>) semaphore(%arg7 : memref<!tpu.dma_semaphore, #tpu.memory_space<semaphore_mem>>)
    %dma_wait3A = arith.constant 0 : i32
    %dma_wait3A_5 = arith.constant 0 : i32
    %dma_wait3A_6 = tpu.memref_slice %arg4[%dma_wait3A, %dma_wait3A_5] : memref<2048x768xf32, #tpu.memory_space<hbm>> -> memref<2048x768xf32, #tpu.memory_space<hbm>>
    tpu.wait_indirect_dma semaphore(%arg7 : memref<!tpu.dma_semaphore, #tpu.memory_space<semaphore_mem>>) src(%arg6 : memref<64x768xf32, #tpu.memory_space<vmem>>) dst(%dma_wait3A_6 : memref<2048x768xf32, #tpu.memory_space<hbm>>)
    return
  }
}

#map = affine_map<(d0, d1) -> (0, 0)>
#map1 = affine_map<(d0, d1) -> (0)>
module attributes {stable_mosaic.version = 14 : i64} {
  func.func @k(%arg0: i32, %arg1: i32, %arg2: memref<2048x768xf32, #tpu.memory_space<hbm>>, %arg3: memref<2048xi32, #tpu.memory_space<hbm>>, %arg4: memref<2048x768xf32, #tpu.memory_space<hbm>>, %arg5: memref<64xi32, #tpu.memory_space<vmem>>, %arg6: memref<64x768xf32, #tpu.memory_space<vmem>>, %arg7: memref<!tpu.dma_semaphore, #tpu.memory_space<semaphore_mem>>) attributes {dimension_semantics = [#tpu.dimension_semantics<core_parallel>, #tpu.dimension_semantics<subcore_parallel>], iteration_bounds = array<i64: 2, 16>, scalar_prefetch = 0 : i64, scratch_operands = 3 : i64, tpu.core_type = #tpu.core_type<sc_vector_subcore>, window_params = [{transform_indices = #map}, {transform_indices = #map1}, {transform_indices = #map}]} {
    %mul3A = arith.constant 2 : i32
    %mul3A_0 = arith.muli %arg1, %mul3A : i32
    %add3A = arith.addi %mul3A_0, %arg0 : i32
    %mul3A_1 = arith.constant 64 : i32
    %mul3A_2 = arith.muli %add3A, %mul3A_1 : i32
    "tpu.region"() ({
      %run_scoped3A = tpu.sem_alloc : memref<!tpu.dma_semaphore, #tpu.memory_space<semaphore_mem>>
      %dma_start3A_7 = tpu.memref_slice %arg3[%mul3A_2] : memref<2048xi32, #tpu.memory_space<hbm>> -> memref<64xi32, #tpu.memory_space<hbm>>
      %dma_start3A_8 = tpu.memref_slice %arg3[%mul3A_2] : memref<2048xi32, #tpu.memory_space<hbm>> -> memref<64xi32, #tpu.memory_space<hbm>>
      tpu.enqueue_dma source(%dma_start3A_8 : memref<64xi32, #tpu.memory_space<hbm>>) target(%arg5 : memref<64xi32, #tpu.memory_space<vmem>>) target_semaphore(%run_scoped3A : memref<!tpu.dma_semaphore, #tpu.memory_space<semaphore_mem>>)
      %dma_wait3A_9 = tpu.memref_slice %arg3[%mul3A_2] : memref<2048xi32, #tpu.memory_space<hbm>> -> memref<64xi32, #tpu.memory_space<hbm>>
      %dma_wait3A_10 = tpu.memref_slice %arg3[%mul3A_2] : memref<2048xi32, #tpu.memory_space<hbm>> -> memref<64xi32, #tpu.memory_space<hbm>>
      tpu.wait_dma2 semaphore(%run_scoped3A : memref<!tpu.dma_semaphore, #tpu.memory_space<semaphore_mem>>) src(%dma_wait3A_10 : memref<64xi32, #tpu.memory_space<hbm>>) dst(%arg5 : memref<64xi32, #tpu.memory_space<vmem>>)
      tpu.yield
    }) : () -> ()
    %dma_start3A = arith.constant 0 : i32
    %dma_start3A_3 = arith.constant 0 : i32
    %dma_start3A_4 = tpu.memref_slice %arg2[%dma_start3A, %dma_start3A_3] : memref<2048x768xf32, #tpu.memory_space<hbm>> -> memref<2048x768xf32, #tpu.memory_space<hbm>>
    tpu.enqueue_indirect_dma source(%dma_start3A_4 : memref<2048x768xf32, #tpu.memory_space<hbm>>) target(%arg6 : memref<64x768xf32, #tpu.memory_space<vmem>>) offsets(%arg5 : memref<64xi32, #tpu.memory_space<vmem>>) semaphore(%arg7 : memref<!tpu.dma_semaphore, #tpu.memory_space<semaphore_mem>>)
    %dma_wait3A = arith.constant 0 : i32
    %dma_wait3A_5 = arith.constant 0 : i32
    %dma_wait3A_6 = tpu.memref_slice %arg2[%dma_wait3A, %dma_wait3A_5] : memref<2048x768xf32, #tpu.memory_space<hbm>> -> memref<2048x768xf32, #tpu.memory_space<hbm>>
    tpu.wait_indirect_dma semaphore(%arg7 : memref<!tpu.dma_semaphore, #tpu.memory_space<semaphore_mem>>) src(%dma_wait3A_6 : memref<2048x768xf32, #tpu.memory_space<hbm>>) dst(%arg6 : memref<64x768xf32, #tpu.memory_space<vmem>>)
    "tpu.region"() ({
      %run_scoped3A = tpu.sem_alloc : memref<!tpu.dma_semaphore, #tpu.memory_space<semaphore_mem>>
      %dma_start3A_7 = arith.constant 0 : i32
      %dma_start3A_8 = tpu.memref_slice %arg4[%mul3A_2, %dma_start3A_7] : memref<2048x768xf32, #tpu.memory_space<hbm>> -> memref<64x768xf32, #tpu.memory_space<hbm>>
      %dma_start3A_9 = arith.constant 0 : i32
      %dma_start3A_10 = tpu.memref_slice %arg4[%mul3A_2, %dma_start3A_9] : memref<2048x768xf32, #tpu.memory_space<hbm>> -> memref<64x768xf32, #tpu.memory_space<hbm>>
      tpu.enqueue_dma source(%arg6 : memref<64x768xf32, #tpu.memory_space<vmem>>) target(%dma_start3A_10 : memref<64x768xf32, #tpu.memory_space<hbm>>) target_semaphore(%run_scoped3A : memref<!tpu.dma_semaphore, #tpu.memory_space<semaphore_mem>>)
      %dma_wait3A_11 = arith.constant 0 : i32
      %dma_wait3A_12 = tpu.memref_slice %arg4[%mul3A_2, %dma_wait3A_11] : memref<2048x768xf32, #tpu.memory_space<hbm>> -> memref<64x768xf32, #tpu.memory_space<hbm>>
      %dma_wait3A_13 = arith.constant 0 : i32
      %dma_wait3A_14 = tpu.memref_slice %arg4[%mul3A_2, %dma_wait3A_13] : memref<2048x768xf32, #tpu.memory_space<hbm>> -> memref<64x768xf32, #tpu.memory_space<hbm>>
      tpu.wait_dma2 semaphore(%run_scoped3A : memref<!tpu.dma_semaphore, #tpu.memory_space<semaphore_mem>>) src(%arg6 : memref<64x768xf32, #tpu.memory_space<vmem>>) dst(%dma_wait3A_14 : memref<64x768xf32, #tpu.memory_space<hbm>>)
      tpu.yield
    }) : () -> ()
    return
  }
}

module attributes {stable_mosaic.version = 14 : i64} {
  func.func @_router_body(%arg0: memref<2048x768xf32, #tpu.memory_space<vmem>>, %arg1: memref<64x768xf32, #tpu.memory_space<vmem>>, %arg2: memref<64xf32, #tpu.memory_space<vmem>>, %arg3: memref<2048x1xi32, #tpu.memory_space<vmem>>, %arg4: memref<1x65xi32, #tpu.memory_space<vmem>>, %arg5: memref<1x1xf32, #tpu.memory_space<vmem>>, %arg6: memref<1x1xf32, #tpu.memory_space<vmem>>) attributes {dimension_semantics = [], scalar_prefetch = 0 : i64, scratch_operands = 0 : i64, tpu.core_type = #tpu.core_type<tc>} {
    %get3A = arith.constant 0 : index
    %get3A_0 = arith.constant 0 : index
    %get3A_1 = vector.load %arg0[%get3A, %get3A_0] : memref<2048x768xf32, #tpu.memory_space<vmem>>, vector<2048x768xf32>
    %get3A_2 = arith.constant 0 : index
    %get3A_3 = arith.constant 0 : index
    %get3A_4 = vector.load %arg1[%get3A_2, %get3A_3] : memref<64x768xf32, #tpu.memory_space<vmem>>, vector<64x768xf32>
    %dot_general3A = arith.constant dense<0.000000e+00> : vector<2048x64xf32>
    %dot_general3A_5 = tpu.matmul %get3A_1, %get3A_4, %dot_general3A {dimension_numbers = #tpu.dot_dimension_numbers<[1], [1], [0], [0], [0, 0, 1, 0], [], []>, transpose_lhs_hint = false} : vector<2048x768xf32>, vector<64x768xf32>, vector<2048x64xf32> -> vector<2048x64xf32>
    %get3A_6 = arith.constant 0 : index
    %get3A_7 = vector.load %arg2[%get3A_6] : memref<64xf32, #tpu.memory_space<vmem>>, vector<64xf32>
    %broadcast_in_dim3A = vector.shape_cast %get3A_7 : vector<64xf32> to vector<1x64xf32>
    %add3A = vector.broadcast %broadcast_in_dim3A : vector<1x64xf32> to vector<2048x64xf32>
    %add3A_8 = arith.addf %dot_general3A_5, %add3A : vector<2048x64xf32>
    %reduce_max3A = arith.constant dense<0xFF800000> : vector<2048xf32>
    %reduce_max3A_9 = vector.multi_reduction <maximumf>, %add3A_8, %reduce_max3A [1] : vector<2048x64xf32> to vector<2048xf32>
    %broadcast_in_dim3A_10 = vector.shape_cast %reduce_max3A_9 : vector<2048xf32> to vector<2048x1xf32>
    %iota3A = tpu.iota {dimensions = array<i32: 1>} : vector<2048x64xi32>
    %eq3A = vector.broadcast %broadcast_in_dim3A_10 : vector<2048x1xf32> to vector<2048x64xf32>
    %eq3A_11 = arith.cmpf oeq, %add3A_8, %eq3A : vector<2048x64xf32>
    %jit3A = arith.constant 64 : i32
    %broadcast_in_dim3A_12 = vector.broadcast %jit3A : i32 to vector<2048x64xi32>
    %select_n3A = arith.select %eq3A_11, %iota3A, %broadcast_in_dim3A_12 : vector<2048x64xi1>, vector<2048x64xi32>
    %reduce_min3A = arith.constant dense<2147483647> : vector<2048xi32>
    %reduce_min3A_13 = vector.multi_reduction <minsi>, %select_n3A, %reduce_min3A [1] : vector<2048x64xi32> to vector<2048xi32>
    %broadcast_in_dim3A_14 = vector.shape_cast %reduce_min3A_13 : vector<2048xi32> to vector<2048x1xi32>
    %eq3A_15 = vector.broadcast %broadcast_in_dim3A_14 : vector<2048x1xi32> to vector<2048x64xi32>
    %eq3A_16 = arith.cmpi eq, %iota3A, %eq3A_15 : vector<2048x64xi32>
    %convert_element_type3A = arith.extui %eq3A_16 : vector<2048x64xi1> to vector<2048x64xi32>
    %convert_element_type3A_17 = arith.sitofp %convert_element_type3A : vector<2048x64xi32> to vector<2048x64xf32>
    %squeeze3A = vector.shape_cast %broadcast_in_dim3A_10 : vector<2048x1xf32> to vector<2048xf32>
    %sub3A = vector.broadcast %broadcast_in_dim3A_10 : vector<2048x1xf32> to vector<2048x64xf32>
    %sub3A_18 = arith.subf %add3A_8, %sub3A : vector<2048x64xf32>
    %exp3A = math.exp %sub3A_18 : vector<2048x64xf32>
    %reduce_sum3A = arith.constant dense<0.000000e+00> : vector<2048xf32>
    %reduce_sum3A_19 = vector.multi_reduction <add>, %exp3A, %reduce_sum3A [1] : vector<2048x64xf32> to vector<2048xf32>
    %log3A = math.log %reduce_sum3A_19 : vector<2048xf32>
    %add3A_20 = arith.addf %squeeze3A, %log3A : vector<2048xf32>
    %mul3A = arith.mulf %add3A_20, %add3A_20 : vector<2048xf32>
    %reduce_sum3A_21 = vector.shape_cast %mul3A : vector<2048xf32> to vector<1x2048xf32>
    %reduce_sum3A_22 = arith.constant dense<0.000000e+00> : vector<1xf32>
    %reduce_sum3A_23 = vector.multi_reduction <add>, %reduce_sum3A_21, %reduce_sum3A_22 [1] : vector<1x2048xf32> to vector<1xf32>
    %reduce_sum3A_24 = vector.shape_cast %reduce_sum3A_23 : vector<1xf32> to vector<1x1xf32>
    %reduce_sum3A_25 = vector.extract %reduce_sum3A_24[0, 0] : f32 from vector<1x1xf32>
    %div3A = arith.constant 2.048000e+03 : f32
    %div3A_26 = arith.divf %reduce_sum3A_25, %div3A : f32
    %reshape3A = vector.broadcast %div3A_26 : f32 to vector<1x1xf32>
    %swap3A = arith.constant 0 : index
    %swap3A_27 = arith.constant 0 : index
    %swap3A_28 = vector.load %arg6[%swap3A, %swap3A_27] : memref<1x1xf32, #tpu.memory_space<vmem>>, vector<1x1xf32>
    tpu.vector_store %arg6[%swap3A, %swap3A_27], %reshape3A {strides = array<i32>} : memref<1x1xf32, #tpu.memory_space<vmem>>, vector<1x1xf32>,
    %reduce_sum3A_29 = arith.constant dense<0.000000e+00> : vector<64xf32>
    %reduce_sum3A_30 = vector.multi_reduction <add>, %convert_element_type3A_17, %reduce_sum3A_29 [0] : vector<2048x64xf32> to vector<64xf32>
    %broadcast_in_dim3A_31 = vector.shape_cast %reduce_sum3A_30 : vector<64xf32> to vector<1x64xf32>
    %mul3A_32 = arith.constant 4.8828125E-4 : f32
    %mul3A_33 = vector.broadcast %mul3A_32 : f32 to vector<1x64xf32>
    %mul3A_34 = arith.mulf %broadcast_in_dim3A_31, %mul3A_33 : vector<1x64xf32>
    %mul3A_35 = arith.mulf %mul3A_34, %mul3A_34 : vector<1x64xf32>
    %reduce_sum3A_36 = vector.shape_cast %mul3A_35 : vector<1x64xf32> to vector<1x1x64xf32>
    %reduce_sum3A_37 = arith.constant dense<0.000000e+00> : vector<1xf32>
    %reduce_sum3A_38 = vector.multi_reduction <add>, %reduce_sum3A_36, %reduce_sum3A_37 [1, 2] : vector<1x1x64xf32> to vector<1xf32>
    %reduce_sum3A_39 = vector.shape_cast %reduce_sum3A_38 : vector<1xf32> to vector<1x1x1xf32>
    %reduce_sum3A_40 = vector.extract %reduce_sum3A_39[0, 0, 0] : f32 from vector<1x1x1xf32>
    %mul3A_41 = arith.constant 6.400000e+01 : f32
    %mul3A_42 = arith.mulf %mul3A_41, %reduce_sum3A_40 : f32
    %reshape3A_43 = vector.broadcast %mul3A_42 : f32 to vector<1x1xf32>
    %swap3A_44 = arith.constant 0 : index
    %swap3A_45 = arith.constant 0 : index
    %swap3A_46 = vector.load %arg5[%swap3A_44, %swap3A_45] : memref<1x1xf32, #tpu.memory_space<vmem>>, vector<1x1xf32>
    tpu.vector_store %arg5[%swap3A_44, %swap3A_45], %reshape3A_43 {strides = array<i32>} : memref<1x1xf32, #tpu.memory_space<vmem>>, vector<1x1xf32>,
    %iota3A_47 = tpu.iota {dimensions = array<i32: 0>} : vector<64x65xi32>
    %iota3A_48 = tpu.iota {dimensions = array<i32: 1>} : vector<64x65xi32>
    %lt3A = arith.cmpi slt, %iota3A_47, %iota3A_48 : vector<64x65xi32>
    %convert_element_type3A_49 = arith.extui %lt3A : vector<64x65xi1> to vector<64x65xi32>
    %convert_element_type3A_50 = arith.sitofp %convert_element_type3A_49 : vector<64x65xi32> to vector<64x65xf32>
    %dot_general3A_51 = arith.constant dense<0.000000e+00> : vector<1x65xf32>
    %dot_general3A_52 = tpu.matmul %broadcast_in_dim3A_31, %convert_element_type3A_50, %dot_general3A_51 {dimension_numbers = #tpu.dot_dimension_numbers<[1], [0], [0], [1], [0, 0, 1, 1], [], []>, transpose_lhs_hint = false} : vector<1x64xf32>, vector<64x65xf32>, vector<1x65xf32> -> vector<1x65xf32>
    %convert_element_type3A_53 = arith.fptosi %dot_general3A_52 : vector<1x65xf32> to vector<1x65xi32>
    %swap3A_54 = arith.constant 0 : index
    %swap3A_55 = arith.constant 0 : index
    %swap3A_56 = vector.load %arg4[%swap3A_54, %swap3A_55] : memref<1x65xi32, #tpu.memory_space<vmem>>, vector<1x65xi32>
    tpu.vector_store %arg4[%swap3A_54, %swap3A_55], %convert_element_type3A_53 {strides = array<i32>} : memref<1x65xi32, #tpu.memory_space<vmem>>, vector<1x65xi32>,
    %iota3A_57 = tpu.iota {dimensions = array<i32: 0>} : vector<256x256xi32>
    %iota3A_58 = tpu.iota {dimensions = array<i32: 1>} : vector<256x256xi32>
    %lt3A_59 = arith.cmpi slt, %iota3A_58, %iota3A_57 : vector<256x256xi32>
    %convert_element_type3A_60 = arith.extui %lt3A_59 : vector<256x256xi1> to vector<256x256xi32>
    %convert_element_type3A_61 = arith.sitofp %convert_element_type3A_60 : vector<256x256xi32> to vector<256x256xf32>
    %slice3A = vector.extract_strided_slice %dot_general3A_52 {offsets = [0, 0], sizes = [1, 64], strides = [1, 1]} : vector<1x65xf32> to vector<1x64xf32>
    %broadcast_in_dim3A_62 = arith.constant 0.000000e+00 : f32
    %broadcast_in_dim3A_63 = vector.broadcast %broadcast_in_dim3A_62 : f32 to vector<1x64xf32>
    %slice3A_64 = vector.extract_strided_slice %convert_element_type3A_17 {offsets = [0, 0], sizes = [256, 64], strides = [1, 1]} : vector<2048x64xf32> to vector<256x64xf32>
    %dot_general3A_65 = arith.constant dense<0.000000e+00> : vector<256x64xf32>
    %dot_general3A_66 = tpu.matmul %convert_element_type3A_61, %slice3A_64, %dot_general3A_65 {dimension_numbers = #tpu.dot_dimension_numbers<[1], [0], [0], [1], [0, 0, 1, 1], [], []>, transpose_lhs_hint = false} : vector<256x256xf32>, vector<256x64xf32>, vector<256x64xf32> -> vector<256x64xf32>
    %add3A_67 = vector.broadcast %broadcast_in_dim3A_63 : vector<1x64xf32> to vector<256x64xf32>
    %add3A_68 = arith.addf %dot_general3A_66, %add3A_67 : vector<256x64xf32>
    %add3A_69 = vector.broadcast %slice3A : vector<1x64xf32> to vector<256x64xf32>
    %add3A_70 = arith.addf %add3A_69, %add3A_68 : vector<256x64xf32>
    %mul3A_71 = arith.mulf %slice3A_64, %add3A_70 : vector<256x64xf32>
    %reduce_sum3A_72 = arith.constant dense<0.000000e+00> : vector<256xf32>
    %reduce_sum3A_73 = vector.multi_reduction <add>, %mul3A_71, %reduce_sum3A_72 [1] : vector<256x64xf32> to vector<256xf32>
    %convert_element_type3A_74 = arith.fptosi %reduce_sum3A_73 : vector<256xf32> to vector<256xi32>
    %broadcast_in_dim3A_75 = vector.shape_cast %convert_element_type3A_74 : vector<256xi32> to vector<256x1xi32>
    %swap3A_76 = arith.constant 0 : index
    %swap3A_77 = arith.constant 0 : index
    %swap3A_78 = vector.load %arg3[%swap3A_76, %swap3A_77] : memref<2048x1xi32, #tpu.memory_space<vmem>>, vector<256x1xi32>
    tpu.vector_store %arg3[%swap3A_76, %swap3A_77], %broadcast_in_dim3A_75 {strides = array<i32>} : memref<2048x1xi32, #tpu.memory_space<vmem>>, vector<256x1xi32>,
    %reduce_sum3A_79 = arith.constant dense<0.000000e+00> : vector<64xf32>
    %reduce_sum3A_80 = vector.multi_reduction <add>, %slice3A_64, %reduce_sum3A_79 [0] : vector<256x64xf32> to vector<64xf32>
    %broadcast_in_dim3A_81 = vector.shape_cast %reduce_sum3A_80 : vector<64xf32> to vector<1x64xf32>
    %add3A_82 = arith.addf %broadcast_in_dim3A_63, %broadcast_in_dim3A_81 : vector<1x64xf32>
    %slice3A_83 = vector.extract_strided_slice %convert_element_type3A_17 {offsets = [256, 0], sizes = [256, 64], strides = [1, 1]} : vector<2048x64xf32> to vector<256x64xf32>
    %dot_general3A_84 = arith.constant dense<0.000000e+00> : vector<256x64xf32>
    %dot_general3A_85 = tpu.matmul %convert_element_type3A_61, %slice3A_83, %dot_general3A_84 {dimension_numbers = #tpu.dot_dimension_numbers<[1], [0], [0], [1], [0, 0, 1, 1], [], []>, transpose_lhs_hint = false} : vector<256x256xf32>, vector<256x64xf32>, vector<256x64xf32> -> vector<256x64xf32>
    %add3A_86 = vector.broadcast %add3A_82 : vector<1x64xf32> to vector<256x64xf32>
    %add3A_87 = arith.addf %dot_general3A_85, %add3A_86 : vector<256x64xf32>
    %add3A_88 = vector.broadcast %slice3A : vector<1x64xf32> to vector<256x64xf32>
    %add3A_89 = arith.addf %add3A_88, %add3A_87 : vector<256x64xf32>
    %mul3A_90 = arith.mulf %slice3A_83, %add3A_89 : vector<256x64xf32>
    %reduce_sum3A_91 = arith.constant dense<0.000000e+00> : vector<256xf32>
    %reduce_sum3A_92 = vector.multi_reduction <add>, %mul3A_90, %reduce_sum3A_91 [1] : vector<256x64xf32> to vector<256xf32>
    %convert_element_type3A_93 = arith.fptosi %reduce_sum3A_92 : vector<256xf32> to vector<256xi32>
    %broadcast_in_dim3A_94 = vector.shape_cast %convert_element_type3A_93 : vector<256xi32> to vector<256x1xi32>
    %swap3A_95 = arith.constant 256 : index
    %swap3A_96 = arith.constant 0 : index
    %swap3A_97 = vector.load %arg3[%swap3A_95, %swap3A_96] : memref<2048x1xi32, #tpu.memory_space<vmem>>, vector<256x1xi32>
    tpu.vector_store %arg3[%swap3A_95, %swap3A_96], %broadcast_in_dim3A_94 {strides = array<i32>} : memref<2048x1xi32, #tpu.memory_space<vmem>>, vector<256x1xi32>,
    %reduce_sum3A_98 = arith.constant dense<0.000000e+00> : vector<64xf32>
    %reduce_sum3A_99 = vector.multi_reduction <add>, %slice3A_83, %reduce_sum3A_98 [0] : vector<256x64xf32> to vector<64xf32>
    %broadcast_in_dim3A_100 = vector.shape_cast %reduce_sum3A_99 : vector<64xf32> to vector<1x64xf32>
    %add3A_101 = arith.addf %add3A_82, %broadcast_in_dim3A_100 : vector<1x64xf32>
    %slice3A_102 = vector.extract_strided_slice %convert_element_type3A_17 {offsets = [512, 0], sizes = [256, 64], strides = [1, 1]} : vector<2048x64xf32> to vector<256x64xf32>
    %dot_general3A_103 = arith.constant dense<0.000000e+00> : vector<256x64xf32>
    %dot_general3A_104 = tpu.matmul %convert_element_type3A_61, %slice3A_102, %dot_general3A_103 {dimension_numbers = #tpu.dot_dimension_numbers<[1], [0], [0], [1], [0, 0, 1, 1], [], []>, transpose_lhs_hint = false} : vector<256x256xf32>, vector<256x64xf32>, vector<256x64xf32> -> vector<256x64xf32>
    %add3A_105 = vector.broadcast %add3A_101 : vector<1x64xf32> to vector<256x64xf32>
    %add3A_106 = arith.addf %dot_general3A_104, %add3A_105 : vector<256x64xf32>
    %add3A_107 = vector.broadcast %slice3A : vector<1x64xf32> to vector<256x64xf32>
    %add3A_108 = arith.addf %add3A_107, %add3A_106 : vector<256x64xf32>
    %mul3A_109 = arith.mulf %slice3A_102, %add3A_108 : vector<256x64xf32>
    %reduce_sum3A_110 = arith.constant dense<0.000000e+00> : vector<256xf32>
    %reduce_sum3A_111 = vector.multi_reduction <add>, %mul3A_109, %reduce_sum3A_110 [1] : vector<256x64xf32> to vector<256xf32>
    %convert_element_type3A_112 = arith.fptosi %reduce_sum3A_111 : vector<256xf32> to vector<256xi32>
    %broadcast_in_dim3A_113 = vector.shape_cast %convert_element_type3A_112 : vector<256xi32> to vector<256x1xi32>
    %swap3A_114 = arith.constant 512 : index
    %swap3A_115 = arith.constant 0 : index
    %swap3A_116 = vector.load %arg3[%swap3A_114, %swap3A_115] : memref<2048x1xi32, #tpu.memory_space<vmem>>, vector<256x1xi32>
    tpu.vector_store %arg3[%swap3A_114, %swap3A_115], %broadcast_in_dim3A_113 {strides = array<i32>} : memref<2048x1xi32, #tpu.memory_space<vmem>>, vector<256x1xi32>,
    %reduce_sum3A_117 = arith.constant dense<0.000000e+00> : vector<64xf32>
    %reduce_sum3A_118 = vector.multi_reduction <add>, %slice3A_102, %reduce_sum3A_117 [0] : vector<256x64xf32> to vector<64xf32>
    %broadcast_in_dim3A_119 = vector.shape_cast %reduce_sum3A_118 : vector<64xf32> to vector<1x64xf32>
    %add3A_120 = arith.addf %add3A_101, %broadcast_in_dim3A_119 : vector<1x64xf32>
    %slice3A_121 = vector.extract_strided_slice %convert_element_type3A_17 {offsets = [768, 0], sizes = [256, 64], strides = [1, 1]} : vector<2048x64xf32> to vector<256x64xf32>
    %dot_general3A_122 = arith.constant dense<0.000000e+00> : vector<256x64xf32>
    %dot_general3A_123 = tpu.matmul %convert_element_type3A_61, %slice3A_121, %dot_general3A_122 {dimension_numbers = #tpu.dot_dimension_numbers<[1], [0], [0], [1], [0, 0, 1, 1], [], []>, transpose_lhs_hint = false} : vector<256x256xf32>, vector<256x64xf32>, vector<256x64xf32> -> vector<256x64xf32>
    %add3A_124 = vector.broadcast %add3A_120 : vector<1x64xf32> to vector<256x64xf32>
    %add3A_125 = arith.addf %dot_general3A_123, %add3A_124 : vector<256x64xf32>
    %add3A_126 = vector.broadcast %slice3A : vector<1x64xf32> to vector<256x64xf32>
    %add3A_127 = arith.addf %add3A_126, %add3A_125 : vector<256x64xf32>
    %mul3A_128 = arith.mulf %slice3A_121, %add3A_127 : vector<256x64xf32>
    %reduce_sum3A_129 = arith.constant dense<0.000000e+00> : vector<256xf32>
    %reduce_sum3A_130 = vector.multi_reduction <add>, %mul3A_128, %reduce_sum3A_129 [1] : vector<256x64xf32> to vector<256xf32>
    %convert_element_type3A_131 = arith.fptosi %reduce_sum3A_130 : vector<256xf32> to vector<256xi32>
    %broadcast_in_dim3A_132 = vector.shape_cast %convert_element_type3A_131 : vector<256xi32> to vector<256x1xi32>
    %swap3A_133 = arith.constant 768 : index
    %swap3A_134 = arith.constant 0 : index
    %swap3A_135 = vector.load %arg3[%swap3A_133, %swap3A_134] : memref<2048x1xi32, #tpu.memory_space<vmem>>, vector<256x1xi32>
    tpu.vector_store %arg3[%swap3A_133, %swap3A_134], %broadcast_in_dim3A_132 {strides = array<i32>} : memref<2048x1xi32, #tpu.memory_space<vmem>>, vector<256x1xi32>,
    %reduce_sum3A_136 = arith.constant dense<0.000000e+00> : vector<64xf32>
    %reduce_sum3A_137 = vector.multi_reduction <add>, %slice3A_121, %reduce_sum3A_136 [0] : vector<256x64xf32> to vector<64xf32>
    %broadcast_in_dim3A_138 = vector.shape_cast %reduce_sum3A_137 : vector<64xf32> to vector<1x64xf32>
    %add3A_139 = arith.addf %add3A_120, %broadcast_in_dim3A_138 : vector<1x64xf32>
    %slice3A_140 = vector.extract_strided_slice %convert_element_type3A_17 {offsets = [1024, 0], sizes = [256, 64], strides = [1, 1]} : vector<2048x64xf32> to vector<256x64xf32>
    %dot_general3A_141 = arith.constant dense<0.000000e+00> : vector<256x64xf32>
    %dot_general3A_142 = tpu.matmul %convert_element_type3A_61, %slice3A_140, %dot_general3A_141 {dimension_numbers = #tpu.dot_dimension_numbers<[1], [0], [0], [1], [0, 0, 1, 1], [], []>, transpose_lhs_hint = false} : vector<256x256xf32>, vector<256x64xf32>, vector<256x64xf32> -> vector<256x64xf32>
    %add3A_143 = vector.broadcast %add3A_139 : vector<1x64xf32> to vector<256x64xf32>
    %add3A_144 = arith.addf %dot_general3A_142, %add3A_143 : vector<256x64xf32>
    %add3A_145 = vector.broadcast %slice3A : vector<1x64xf32> to vector<256x64xf32>
    %add3A_146 = arith.addf %add3A_145, %add3A_144 : vector<256x64xf32>
    %mul3A_147 = arith.mulf %slice3A_140, %add3A_146 : vector<256x64xf32>
    %reduce_sum3A_148 = arith.constant dense<0.000000e+00> : vector<256xf32>
    %reduce_sum3A_149 = vector.multi_reduction <add>, %mul3A_147, %reduce_sum3A_148 [1] : vector<256x64xf32> to vector<256xf32>
    %convert_element_type3A_150 = arith.fptosi %reduce_sum3A_149 : vector<256xf32> to vector<256xi32>
    %broadcast_in_dim3A_151 = vector.shape_cast %convert_element_type3A_150 : vector<256xi32> to vector<256x1xi32>
    %swap3A_152 = arith.constant 1024 : index
    %swap3A_153 = arith.constant 0 : index
    %swap3A_154 = vector.load %arg3[%swap3A_152, %swap3A_153] : memref<2048x1xi32, #tpu.memory_space<vmem>>, vector<256x1xi32>
    tpu.vector_store %arg3[%swap3A_152, %swap3A_153], %broadcast_in_dim3A_151 {strides = array<i32>} : memref<2048x1xi32, #tpu.memory_space<vmem>>, vector<256x1xi32>,
    %reduce_sum3A_155 = arith.constant dense<0.000000e+00> : vector<64xf32>
    %reduce_sum3A_156 = vector.multi_reduction <add>, %slice3A_140, %reduce_sum3A_155 [0] : vector<256x64xf32> to vector<64xf32>
    %broadcast_in_dim3A_157 = vector.shape_cast %reduce_sum3A_156 : vector<64xf32> to vector<1x64xf32>
    %add3A_158 = arith.addf %add3A_139, %broadcast_in_dim3A_157 : vector<1x64xf32>
    %slice3A_159 = vector.extract_strided_slice %convert_element_type3A_17 {offsets = [1280, 0], sizes = [256, 64], strides = [1, 1]} : vector<2048x64xf32> to vector<256x64xf32>
    %dot_general3A_160 = arith.constant dense<0.000000e+00> : vector<256x64xf32>
    %dot_general3A_161 = tpu.matmul %convert_element_type3A_61, %slice3A_159, %dot_general3A_160 {dimension_numbers = #tpu.dot_dimension_numbers<[1], [0], [0], [1], [0, 0, 1, 1], [], []>, transpose_lhs_hint = false} : vector<256x256xf32>, vector<256x64xf32>, vector<256x64xf32> -> vector<256x64xf32>
    %add3A_162 = vector.broadcast %add3A_158 : vector<1x64xf32> to vector<256x64xf32>
    %add3A_163 = arith.addf %dot_general3A_161, %add3A_162 : vector<256x64xf32>
    %add3A_164 = vector.broadcast %slice3A : vector<1x64xf32> to vector<256x64xf32>
    %add3A_165 = arith.addf %add3A_164, %add3A_163 : vector<256x64xf32>
    %mul3A_166 = arith.mulf %slice3A_159, %add3A_165 : vector<256x64xf32>
    %reduce_sum3A_167 = arith.constant dense<0.000000e+00> : vector<256xf32>
    %reduce_sum3A_168 = vector.multi_reduction <add>, %mul3A_166, %reduce_sum3A_167 [1] : vector<256x64xf32> to vector<256xf32>
    %convert_element_type3A_169 = arith.fptosi %reduce_sum3A_168 : vector<256xf32> to vector<256xi32>
    %broadcast_in_dim3A_170 = vector.shape_cast %convert_element_type3A_169 : vector<256xi32> to vector<256x1xi32>
    %swap3A_171 = arith.constant 1280 : index
    %swap3A_172 = arith.constant 0 : index
    %swap3A_173 = vector.load %arg3[%swap3A_171, %swap3A_172] : memref<2048x1xi32, #tpu.memory_space<vmem>>, vector<256x1xi32>
    tpu.vector_store %arg3[%swap3A_171, %swap3A_172], %broadcast_in_dim3A_170 {strides = array<i32>} : memref<2048x1xi32, #tpu.memory_space<vmem>>, vector<256x1xi32>,
    %reduce_sum3A_174 = arith.constant dense<0.000000e+00> : vector<64xf32>
    %reduce_sum3A_175 = vector.multi_reduction <add>, %slice3A_159, %reduce_sum3A_174 [0] : vector<256x64xf32> to vector<64xf32>
    %broadcast_in_dim3A_176 = vector.shape_cast %reduce_sum3A_175 : vector<64xf32> to vector<1x64xf32>
    %add3A_177 = arith.addf %add3A_158, %broadcast_in_dim3A_176 : vector<1x64xf32>
    %slice3A_178 = vector.extract_strided_slice %convert_element_type3A_17 {offsets = [1536, 0], sizes = [256, 64], strides = [1, 1]} : vector<2048x64xf32> to vector<256x64xf32>
    %dot_general3A_179 = arith.constant dense<0.000000e+00> : vector<256x64xf32>
    %dot_general3A_180 = tpu.matmul %convert_element_type3A_61, %slice3A_178, %dot_general3A_179 {dimension_numbers = #tpu.dot_dimension_numbers<[1], [0], [0], [1], [0, 0, 1, 1], [], []>, transpose_lhs_hint = false} : vector<256x256xf32>, vector<256x64xf32>, vector<256x64xf32> -> vector<256x64xf32>
    %add3A_181 = vector.broadcast %add3A_177 : vector<1x64xf32> to vector<256x64xf32>
    %add3A_182 = arith.addf %dot_general3A_180, %add3A_181 : vector<256x64xf32>
    %add3A_183 = vector.broadcast %slice3A : vector<1x64xf32> to vector<256x64xf32>
    %add3A_184 = arith.addf %add3A_183, %add3A_182 : vector<256x64xf32>
    %mul3A_185 = arith.mulf %slice3A_178, %add3A_184 : vector<256x64xf32>
    %reduce_sum3A_186 = arith.constant dense<0.000000e+00> : vector<256xf32>
    %reduce_sum3A_187 = vector.multi_reduction <add>, %mul3A_185, %reduce_sum3A_186 [1] : vector<256x64xf32> to vector<256xf32>
    %convert_element_type3A_188 = arith.fptosi %reduce_sum3A_187 : vector<256xf32> to vector<256xi32>
    %broadcast_in_dim3A_189 = vector.shape_cast %convert_element_type3A_188 : vector<256xi32> to vector<256x1xi32>
    %swap3A_190 = arith.constant 1536 : index
    %swap3A_191 = arith.constant 0 : index
    %swap3A_192 = vector.load %arg3[%swap3A_190, %swap3A_191] : memref<2048x1xi32, #tpu.memory_space<vmem>>, vector<256x1xi32>
    tpu.vector_store %arg3[%swap3A_190, %swap3A_191], %broadcast_in_dim3A_189 {strides = array<i32>} : memref<2048x1xi32, #tpu.memory_space<vmem>>, vector<256x1xi32>,
    %reduce_sum3A_193 = arith.constant dense<0.000000e+00> : vector<64xf32>
    %reduce_sum3A_194 = vector.multi_reduction <add>, %slice3A_178, %reduce_sum3A_193 [0] : vector<256x64xf32> to vector<64xf32>
    %broadcast_in_dim3A_195 = vector.shape_cast %reduce_sum3A_194 : vector<64xf32> to vector<1x64xf32>
    %add3A_196 = arith.addf %add3A_177, %broadcast_in_dim3A_195 : vector<1x64xf32>
    %slice3A_197 = vector.extract_strided_slice %convert_element_type3A_17 {offsets = [1792, 0], sizes = [256, 64], strides = [1, 1]} : vector<2048x64xf32> to vector<256x64xf32>
    %dot_general3A_198 = arith.constant dense<0.000000e+00> : vector<256x64xf32>
    %dot_general3A_199 = tpu.matmul %convert_element_type3A_61, %slice3A_197, %dot_general3A_198 {dimension_numbers = #tpu.dot_dimension_numbers<[1], [0], [0], [1], [0, 0, 1, 1], [], []>, transpose_lhs_hint = false} : vector<256x256xf32>, vector<256x64xf32>, vector<256x64xf32> -> vector<256x64xf32>
    %add3A_200 = vector.broadcast %add3A_196 : vector<1x64xf32> to vector<256x64xf32>
    %add3A_201 = arith.addf %dot_general3A_199, %add3A_200 : vector<256x64xf32>
    %add3A_202 = vector.broadcast %slice3A : vector<1x64xf32> to vector<256x64xf32>
    %add3A_203 = arith.addf %add3A_202, %add3A_201 : vector<256x64xf32>
    %mul3A_204 = arith.mulf %slice3A_197, %add3A_203 : vector<256x64xf32>
    %reduce_sum3A_205 = arith.constant dense<0.000000e+00> : vector<256xf32>
    %reduce_sum3A_206 = vector.multi_reduction <add>, %mul3A_204, %reduce_sum3A_205 [1] : vector<256x64xf32> to vector<256xf32>
    %convert_element_type3A_207 = arith.fptosi %reduce_sum3A_206 : vector<256xf32> to vector<256xi32>
    %broadcast_in_dim3A_208 = vector.shape_cast %convert_element_type3A_207 : vector<256xi32> to vector<256x1xi32>
    %swap3A_209 = arith.constant 1792 : index
    %swap3A_210 = arith.constant 0 : index
    %swap3A_211 = vector.load %arg3[%swap3A_209, %swap3A_210] : memref<2048x1xi32, #tpu.memory_space<vmem>>, vector<256x1xi32>
    tpu.vector_store %arg3[%swap3A_209, %swap3A_210], %broadcast_in_dim3A_208 {strides = array<i32>} : memref<2048x1xi32, #tpu.memory_space<vmem>>, vector<256x1xi32>,
    return
  }
}

module attributes {stable_mosaic.version = 14 : i64} {
  func.func @_ffn_body(%arg0: i32, %arg1: memref<65xi32, #tpu.memory_space<smem>>, %arg2: memref<2048x768xf32, #tpu.memory_space<vmem>>, %arg3: memref<1x3072x768xf32, #tpu.memory_space<vmem>>, %arg4: memref<1x1x3072xf32, #tpu.memory_space<vmem>>, %arg5: memref<1x768x3072xf32, #tpu.memory_space<vmem>>, %arg6: memref<1x1x768xf32, #tpu.memory_space<vmem>>, %arg7: memref<2048x768xf32, #tpu.memory_space<vmem>>) attributes {dimension_semantics = [#tpu.dimension_semantics<arbitrary>], iteration_bounds = array<i64: 64>, scalar_prefetch = 0 : i64, scratch_operands = 0 : i64, tpu.core_type = #tpu.core_type<tc>, window_params = [{transform_indices = @transform_0, window_bounds = array<i64: 65>}, {pipeline_mode = #tpu.pipeline_mode<synchronous>, transform_indices = @transform_1, window_bounds = array<i64: 2048, 768>}, {transform_indices = @transform_2, window_bounds = array<i64: 1, 3072, 768>}, {transform_indices = @transform_3, window_bounds = array<i64: 1, 1, 3072>}, {transform_indices = @transform_4, window_bounds = array<i64: 1, 768, 3072>}, {transform_indices = @transform_5, window_bounds = array<i64: 1, 1, 768>}, {pipeline_mode = #tpu.pipeline_mode<synchronous>, transform_indices = @transform_6, window_bounds = array<i64: 2048, 768>}]} {
    %get3A = arith.index_cast %arg0 : i32 to index
    %get3A_0 = memref.load %arg1[%get3A] : memref<65xi32, #tpu.memory_space<smem>>
    %add3A = arith.constant 1 : i32
    %add3A_1 = arith.addi %arg0, %add3A : i32
    %get3A_2 = arith.index_cast %add3A_1 : i32 to index
    %get3A_3 = memref.load %arg1[%get3A_2] : memref<65xi32, #tpu.memory_space<smem>>
    %jit3A = arith.constant 8 : i32
    %div3A = arith.divsi %get3A_0, %jit3A : i32
    %sign3A = arith.constant 0 : i32
    %sign3A_4 = arith.cmpi sgt, %get3A_0, %sign3A : i32
    %sign3A_5 = arith.extui %sign3A_4 : i1 to i32
    %sign3A_6 = arith.constant 0 : i32
    %sign3A_7 = arith.cmpi slt, %get3A_0, %sign3A_6 : i32
    %sign3A_8 = arith.extui %sign3A_7 : i1 to i32
    %sign3A_9 = arith.subi %sign3A_5, %sign3A_8 : i32
    %sign3A_10 = arith.constant 0 : i32
    %sign3A_11 = arith.cmpi sgt, %jit3A, %sign3A_10 : i32
    %sign3A_12 = arith.extui %sign3A_11 : i1 to i32
    %sign3A_13 = arith.constant 0 : i32
    %sign3A_14 = arith.cmpi slt, %jit3A, %sign3A_13 : i32
    %sign3A_15 = arith.extui %sign3A_14 : i1 to i32
    %sign3A_16 = arith.subi %sign3A_12, %sign3A_15 : i32
    %ne3A = arith.cmpi ne, %sign3A_9, %sign3A_16 : i32
    %rem3A = arith.remsi %get3A_0, %jit3A : i32
    %ne3A_17 = arith.constant 0 : i32
    %ne3A_18 = arith.cmpi ne, %rem3A, %ne3A_17 : i32
    %and3A = arith.andi %ne3A, %ne3A_18 : i1
    %sub3A = arith.constant 1 : i32
    %sub3A_19 = arith.subi %div3A, %sub3A : i32
    %select_n3A = arith.select %and3A, %sub3A_19, %div3A : i32
    %mul3A = arith.constant 8 : i32
    %mul3A_20 = arith.muli %select_n3A, %mul3A : i32
    %sub3A_21 = arith.subi %get3A_3, %mul3A_20 : i32
    %add3A_22 = arith.constant 64 : i32
    %add3A_23 = arith.addi %sub3A_21, %add3A_22 : i32
    %sub3A_24 = arith.constant 1 : i32
    %sub3A_25 = arith.subi %add3A_23, %sub3A_24 : i32
    %jit3A_26 = arith.constant 64 : i32
    %div3A_27 = arith.divsi %sub3A_25, %jit3A_26 : i32
    %sign3A_28 = arith.constant 0 : i32
    %sign3A_29 = arith.cmpi sgt, %sub3A_25, %sign3A_28 : i32
    %sign3A_30 = arith.extui %sign3A_29 : i1 to i32
    %sign3A_31 = arith.constant 0 : i32
    %sign3A_32 = arith.cmpi slt, %sub3A_25, %sign3A_31 : i32
    %sign3A_33 = arith.extui %sign3A_32 : i1 to i32
    %sign3A_34 = arith.subi %sign3A_30, %sign3A_33 : i32
    %sign3A_35 = arith.constant 0 : i32
    %sign3A_36 = arith.cmpi sgt, %jit3A_26, %sign3A_35 : i32
    %sign3A_37 = arith.extui %sign3A_36 : i1 to i32
    %sign3A_38 = arith.constant 0 : i32
    %sign3A_39 = arith.cmpi slt, %jit3A_26, %sign3A_38 : i32
    %sign3A_40 = arith.extui %sign3A_39 : i1 to i32
    %sign3A_41 = arith.subi %sign3A_37, %sign3A_40 : i32
    %ne3A_42 = arith.cmpi ne, %sign3A_34, %sign3A_41 : i32
    %rem3A_43 = arith.remsi %sub3A_25, %jit3A_26 : i32
    %ne3A_44 = arith.constant 0 : i32
    %ne3A_45 = arith.cmpi ne, %rem3A_43, %ne3A_44 : i32
    %and3A_46 = arith.andi %ne3A_42, %ne3A_45 : i1
    %sub3A_47 = arith.constant 1 : i32
    %sub3A_48 = arith.subi %div3A_27, %sub3A_47 : i32
    %select_n3A_49 = arith.select %and3A_46, %sub3A_48, %div3A_27 : i32
    %while3A = arith.constant 0 : i32
    %while3A_50 = arith.constant 0 : i32
    %while3A_51 = arith.subi %select_n3A_49, %while3A_50 : i32
    %while3A_52 = arith.addi %while3A_50, %while3A_51 : i32
    %while3A_53 = arith.constant 1 : i32
    %while3A_54 = arith.divsi %while3A_51, %while3A_53 : i32
    %while3A_55 = arith.muli %while3A_54, %while3A_53 : i32
    %while3A_56 = arith.addi %while3A_50, %while3A_55 : i32
    %while3A_57 = arith.constant 1 : i32
    scf.for %while3A_59 = %while3A_50 to %while3A_56 step %while3A_57  : i32 {
      %mul3A_60 = arith.constant 64 : i32
      %mul3A_61 = arith.muli %while3A_59, %mul3A_60 : i32
      %add3A_62 = arith.addi %mul3A_20, %mul3A_61 : i32
      %min3A = arith.constant 1984 : i32
      %min3A_63 = arith.minsi %add3A_62, %min3A : i32
      %multiple_of3A = tpu.assume_multiple %min3A_63, 8 : i32
      %get3A_64 = arith.index_cast %multiple_of3A : i32 to index
      %get3A_65 = arith.constant 0 : index
      %get3A_66 = vector.load %arg2[%get3A_64, %get3A_65] : memref<2048x768xf32, #tpu.memory_space<vmem>>, vector<64x768xf32>
      %get3A_67 = arith.constant 0 : index
      %get3A_68 = arith.constant 0 : index
      %get3A_69 = arith.constant 0 : index
      %get3A_70 = vector.load %arg3[%get3A_67, %get3A_68, %get3A_69] : memref<1x3072x768xf32, #tpu.memory_space<vmem>>, vector<1x3072x768xf32>
      %get3A_71 = vector.shape_cast %get3A_70 : vector<1x3072x768xf32> to vector<3072x768xf32>
      %dot_general3A = arith.constant dense<0.000000e+00> : vector<64x3072xf32>
      %dot_general3A_72 = tpu.matmul %get3A_66, %get3A_71, %dot_general3A {dimension_numbers = #tpu.dot_dimension_numbers<[1], [1], [0], [0], [0, 0, 1, 0], [], []>, transpose_lhs_hint = false} : vector<64x768xf32>, vector<3072x768xf32>, vector<64x3072xf32> -> vector<64x3072xf32>
      %get3A_73 = arith.constant 0 : index
      %get3A_74 = arith.constant 0 : index
      %get3A_75 = arith.constant 0 : index
      %get3A_76 = vector.load %arg4[%get3A_73, %get3A_74, %get3A_75] : memref<1x1x3072xf32, #tpu.memory_space<vmem>>, vector<1x1x3072xf32>
      %get3A_77 = vector.shape_cast %get3A_76 : vector<1x1x3072xf32> to vector<1x3072xf32>
      %add3A_78 = vector.broadcast %get3A_77 : vector<1x3072xf32> to vector<64x3072xf32>
      %add3A_79 = arith.addf %dot_general3A_72, %add3A_78 : vector<64x3072xf32>
      %max3A = arith.constant 0.000000e+00 : f32
      %max3A_80 = vector.broadcast %max3A : f32 to vector<64x3072xf32>
      %max3A_81 = arith.maximumf %add3A_79, %max3A_80 : vector<64x3072xf32>
      %get3A_82 = arith.constant 0 : index
      %get3A_83 = arith.constant 0 : index
      %get3A_84 = arith.constant 0 : index
      %get3A_85 = vector.load %arg5[%get3A_82, %get3A_83, %get3A_84] : memref<1x768x3072xf32, #tpu.memory_space<vmem>>, vector<1x768x3072xf32>
      %get3A_86 = vector.shape_cast %get3A_85 : vector<1x768x3072xf32> to vector<768x3072xf32>
      %dot_general3A_87 = arith.constant dense<0.000000e+00> : vector<64x768xf32>
      %dot_general3A_88 = tpu.matmul %max3A_81, %get3A_86, %dot_general3A_87 {dimension_numbers = #tpu.dot_dimension_numbers<[1], [1], [0], [0], [0, 0, 1, 0], [], []>, transpose_lhs_hint = false} : vector<64x3072xf32>, vector<768x3072xf32>, vector<64x768xf32> -> vector<64x768xf32>
      %get3A_89 = arith.constant 0 : index
      %get3A_90 = arith.constant 0 : index
      %get3A_91 = arith.constant 0 : index
      %get3A_92 = vector.load %arg6[%get3A_89, %get3A_90, %get3A_91] : memref<1x1x768xf32, #tpu.memory_space<vmem>>, vector<1x1x768xf32>
      %get3A_93 = vector.shape_cast %get3A_92 : vector<1x1x768xf32> to vector<1x768xf32>
      %add3A_94 = vector.broadcast %get3A_93 : vector<1x768xf32> to vector<64x768xf32>
      %add3A_95 = arith.addf %dot_general3A_88, %add3A_94 : vector<64x768xf32>
      %iota3A = tpu.iota {dimensions = array<i32: 0>} : vector<64x1xi32>
      %add3A_96 = vector.broadcast %multiple_of3A : i32 to vector<64x1xi32>
      %add3A_97 = arith.addi %add3A_96, %iota3A : vector<64x1xi32>
      %ge3A = vector.broadcast %get3A_0 : i32 to vector<64x1xi32>
      %ge3A_98 = arith.cmpi sge, %add3A_97, %ge3A : vector<64x1xi32>
      %lt3A = vector.broadcast %get3A_3 : i32 to vector<64x1xi32>
      %lt3A_99 = arith.cmpi slt, %add3A_97, %lt3A : vector<64x1xi32>
      %and3A_100 = arith.andi %ge3A_98, %lt3A_99 : vector<64x1xi1>
      %get3A_101 = arith.index_cast %multiple_of3A : i32 to index
      %get3A_102 = arith.constant 0 : index
      %get3A_103 = vector.load %arg7[%get3A_101, %get3A_102] : memref<2048x768xf32, #tpu.memory_space<vmem>>, vector<64x768xf32>
      %broadcast_in_dim3A = vector.shape_cast %and3A_100 : vector<64x1xi1> to vector<64x1xi1>
      %broadcast_in_dim3A_104 = vector.broadcast %broadcast_in_dim3A : vector<64x1xi1> to vector<64x768xi1>
      %select_n3A_105 = arith.select %broadcast_in_dim3A_104, %add3A_95, %get3A_103 : vector<64x768xi1>, vector<64x768xf32>
      %swap3A = arith.index_cast %multiple_of3A : i32 to index
      %swap3A_106 = arith.constant 0 : index
      %swap3A_107 = vector.load %arg7[%swap3A, %swap3A_106] : memref<2048x768xf32, #tpu.memory_space<vmem>>, vector<64x768xf32>
      tpu.vector_store %arg7[%swap3A, %swap3A_106], %select_n3A_105 {strides = array<i32>} : memref<2048x768xf32, #tpu.memory_space<vmem>>, vector<64x768xf32>,
    }
    %while3A_58 = arith.constant 1 : i32
    scf.for %while3A_59 = %while3A_56 to %while3A_52 step %while3A_58  : i32 {
      %mul3A_60 = arith.constant 64 : i32
      %mul3A_61 = arith.muli %while3A_59, %mul3A_60 : i32
      %add3A_62 = arith.addi %mul3A_20, %mul3A_61 : i32
      %min3A = arith.constant 1984 : i32
      %min3A_63 = arith.minsi %add3A_62, %min3A : i32
      %multiple_of3A = tpu.assume_multiple %min3A_63, 8 : i32
      %get3A_64 = arith.index_cast %multiple_of3A : i32 to index
      %get3A_65 = arith.constant 0 : index
      %get3A_66 = vector.load %arg2[%get3A_64, %get3A_65] : memref<2048x768xf32, #tpu.memory_space<vmem>>, vector<64x768xf32>
      %get3A_67 = arith.constant 0 : index
      %get3A_68 = arith.constant 0 : index
      %get3A_69 = arith.constant 0 : index
      %get3A_70 = vector.load %arg3[%get3A_67, %get3A_68, %get3A_69] : memref<1x3072x768xf32, #tpu.memory_space<vmem>>, vector<1x3072x768xf32>
      %get3A_71 = vector.shape_cast %get3A_70 : vector<1x3072x768xf32> to vector<3072x768xf32>
      %dot_general3A = arith.constant dense<0.000000e+00> : vector<64x3072xf32>
      %dot_general3A_72 = tpu.matmul %get3A_66, %get3A_71, %dot_general3A {dimension_numbers = #tpu.dot_dimension_numbers<[1], [1], [0], [0], [0, 0, 1, 0], [], []>, transpose_lhs_hint = false} : vector<64x768xf32>, vector<3072x768xf32>, vector<64x3072xf32> -> vector<64x3072xf32>
      %get3A_73 = arith.constant 0 : index
      %get3A_74 = arith.constant 0 : index
      %get3A_75 = arith.constant 0 : index
      %get3A_76 = vector.load %arg4[%get3A_73, %get3A_74, %get3A_75] : memref<1x1x3072xf32, #tpu.memory_space<vmem>>, vector<1x1x3072xf32>
      %get3A_77 = vector.shape_cast %get3A_76 : vector<1x1x3072xf32> to vector<1x3072xf32>
      %add3A_78 = vector.broadcast %get3A_77 : vector<1x3072xf32> to vector<64x3072xf32>
      %add3A_79 = arith.addf %dot_general3A_72, %add3A_78 : vector<64x3072xf32>
      %max3A = arith.constant 0.000000e+00 : f32
      %max3A_80 = vector.broadcast %max3A : f32 to vector<64x3072xf32>
      %max3A_81 = arith.maximumf %add3A_79, %max3A_80 : vector<64x3072xf32>
      %get3A_82 = arith.constant 0 : index
      %get3A_83 = arith.constant 0 : index
      %get3A_84 = arith.constant 0 : index
      %get3A_85 = vector.load %arg5[%get3A_82, %get3A_83, %get3A_84] : memref<1x768x3072xf32, #tpu.memory_space<vmem>>, vector<1x768x3072xf32>
      %get3A_86 = vector.shape_cast %get3A_85 : vector<1x768x3072xf32> to vector<768x3072xf32>
      %dot_general3A_87 = arith.constant dense<0.000000e+00> : vector<64x768xf32>
      %dot_general3A_88 = tpu.matmul %max3A_81, %get3A_86, %dot_general3A_87 {dimension_numbers = #tpu.dot_dimension_numbers<[1], [1], [0], [0], [0, 0, 1, 0], [], []>, transpose_lhs_hint = false} : vector<64x3072xf32>, vector<768x3072xf32>, vector<64x768xf32> -> vector<64x768xf32>
      %get3A_89 = arith.constant 0 : index
      %get3A_90 = arith.constant 0 : index
      %get3A_91 = arith.constant 0 : index
      %get3A_92 = vector.load %arg6[%get3A_89, %get3A_90, %get3A_91] : memref<1x1x768xf32, #tpu.memory_space<vmem>>, vector<1x1x768xf32>
      %get3A_93 = vector.shape_cast %get3A_92 : vector<1x1x768xf32> to vector<1x768xf32>
      %add3A_94 = vector.broadcast %get3A_93 : vector<1x768xf32> to vector<64x768xf32>
      %add3A_95 = arith.addf %dot_general3A_88, %add3A_94 : vector<64x768xf32>
      %iota3A = tpu.iota {dimensions = array<i32: 0>} : vector<64x1xi32>
      %add3A_96 = vector.broadcast %multiple_of3A : i32 to vector<64x1xi32>
      %add3A_97 = arith.addi %add3A_96, %iota3A : vector<64x1xi32>
      %ge3A = vector.broadcast %get3A_0 : i32 to vector<64x1xi32>
      %ge3A_98 = arith.cmpi sge, %add3A_97, %ge3A : vector<64x1xi32>
      %lt3A = vector.broadcast %get3A_3 : i32 to vector<64x1xi32>
      %lt3A_99 = arith.cmpi slt, %add3A_97, %lt3A : vector<64x1xi32>
      %and3A_100 = arith.andi %ge3A_98, %lt3A_99 : vector<64x1xi1>
      %get3A_101 = arith.index_cast %multiple_of3A : i32 to index
      %get3A_102 = arith.constant 0 : index
      %get3A_103 = vector.load %arg7[%get3A_101, %get3A_102] : memref<2048x768xf32, #tpu.memory_space<vmem>>, vector<64x768xf32>
      %broadcast_in_dim3A = vector.shape_cast %and3A_100 : vector<64x1xi1> to vector<64x1xi1>
      %broadcast_in_dim3A_104 = vector.broadcast %broadcast_in_dim3A : vector<64x1xi1> to vector<64x768xi1>
      %select_n3A_105 = arith.select %broadcast_in_dim3A_104, %add3A_95, %get3A_103 : vector<64x768xi1>, vector<64x768xf32>
      %swap3A = arith.index_cast %multiple_of3A : i32 to index
      %swap3A_106 = arith.constant 0 : index
      %swap3A_107 = vector.load %arg7[%swap3A, %swap3A_106] : memref<2048x768xf32, #tpu.memory_space<vmem>>, vector<64x768xf32>
      tpu.vector_store %arg7[%swap3A, %swap3A_106], %select_n3A_105 {strides = array<i32>} : memref<2048x768xf32, #tpu.memory_space<vmem>>, vector<64x768xf32>,
    }
    return
  }
  func.func @transform_0(%arg0: i32) -> i32 {
    %c0_i32 = arith.constant 0 : i32
    %c0_i32_0 = arith.constant 0 : i32
    return %c0_i32 : i32
  }
  func.func @transform_1(%arg0: i32) -> (i32, i32) {
    %c0_i32 = arith.constant 0 : i32
    %c0_i32_0 = arith.constant 0 : i32
    %c0_i32_1 = arith.constant 0 : i32
    return %c0_i32, %c0_i32_0 : i32, i32
  }
  func.func @transform_2(%arg0: i32) -> (i32, i32, i32) {
    %c0_i32 = arith.constant 0 : i32
    %c0_i32_0 = arith.constant 0 : i32
    %c0_i32_1 = arith.constant 0 : i32
    return %arg0, %c0_i32, %c0_i32_0 : i32, i32, i32
  }
  func.func @transform_3(%arg0: i32) -> (i32, i32, i32) {
    %c0_i32 = arith.constant 0 : i32
    %c0_i32_0 = arith.constant 0 : i32
    %c0_i32_1 = arith.constant 0 : i32
    return %arg0, %c0_i32, %c0_i32_0 : i32, i32, i32
  }
  func.func @transform_4(%arg0: i32) -> (i32, i32, i32) {
    %c0_i32 = arith.constant 0 : i32
    %c0_i32_0 = arith.constant 0 : i32
    %c0_i32_1 = arith.constant 0 : i32
    return %arg0, %c0_i32, %c0_i32_0 : i32, i32, i32
  }
  func.func @transform_5(%arg0: i32) -> (i32, i32, i32) {
    %c0_i32 = arith.constant 0 : i32
    %c0_i32_0 = arith.constant 0 : i32
    %c0_i32_1 = arith.constant 0 : i32
    return %arg0, %c0_i32, %c0_i32_0 : i32, i32, i32
  }
  func.func @transform_6(%arg0: i32) -> (i32, i32) {
    %c0_i32 = arith.constant 0 : i32
    %c0_i32_0 = arith.constant 0 : i32
    %c0_i32_1 = arith.constant 0 : i32
    return %c0_i32, %c0_i32_0 : i32, i32
  }
}

</mosaic_0001>

<sc_bundles>
// kernel: kernel.6.cloned.1.call-start
scs
__scs_entry_jumppad:
0x0: {  	(pc) =	sbr.rel $0x88, $3  }
0x1: {  	(tag) =	ssettag $0x0;
	lr =	simm.s32 $0x1  }
0x2: {  	[smem:$0x3F9A] =	sst lr;
	_ =	strace $0xD0000000  }
0x3: {  	_ = 	snop  }
0x4: {  	_ = 	snop  }
0x5: {  	_ = 	snop  }
0x6: {  	_ = 	snop  }
0x7: {  	_ = 	snop  }
__scs_overlays_trampoline_lowered:
0x8: {  	[smem:$0x3FA9] =	sst s0  }
0x9: {  	[smem:$0x3FAA] =	sst s1  }
0xa: {  	[smem:$0x3FAB] =	sst s2  }
0xb: {  	[smem:$0x3FAC] =	sst s3  }
0xc: {  	[smem:$0x3FAD] =	sst s4  }
0xd: {  	[smem:$0x3FAE] =	sst s5  }
0xe: {  	[smem:$0x3FAF] =	sst s6  }
0xf: {  	[smem:$0x3FB0] =	sst s7  }
0x10: {  	[smem:$0x3FB1] =	sst s8  }
0x11: {  	[smem:$0x3FB2] =	sst s9;
	s0 =	simm.s32 @!p0 $0x0  }
0x12: {  	s1 =	sld [smem:$0x3F98];
	s0 =	simm.s32 @p0 $0x1  }
0x13: {  	[smem:$0x3FB3] =	sst s0;
	s0 =	simm.s32 @!p1 $0x0  }
0x14: {  	s2 =	sld [smem:$0x3F97];
	s0 =	simm.s32 @p1 $0x1  }
0x15: {  	[smem:$0x3FB4] =	sst s0;
	s0 =	simm.s32 @!p2 $0x0  }
0x16: {  	s3 =	sld [smem:$0x3FDB];
	s0 =	simm.s32 @p2 $0x1  }
0x17: {  	s4 =	simm.s32 $0x1BF5;
	[smem:$0x3FB6] =	sst s0  }
0x18: {  	s0 =	sld [smem:$0x3F99];
	_ =	swait.ge [sflag:s4], $0x0  }
0x19: {  	s7 =	sld [smem:$0x3F9A]  }
0x1a: {  	s8 =	sadd.s32 $0xFFFFE003, lr  }
0x1b: {  	s9 =	sadd.s32 $0xFFFFFEF7, lr;
	s5 =	simm.s32 $0xFFFFFFFF;
	p2 =	slt.u32 s8, $0xFFFFF086  }
0x1c: {  	p1 =	slt.u32 s9, $0xF7A;
	s5 =	simm.s32 @!p2 $0x0  }
0x1d: {  	s5 =	simm.s32 @p1 $0x1;
	p0 =	seq.s32 s7, s2  }
0x1e: {  	s7 =	smul.u32 @!p0 $0xF7A, s2;
	p2 =	seq.s32 @!p0 s5, $0x0  }
0x1f: {  	s9 =	smul.u32 $0xF7A, s1;
	s8 =	simm.s32 @!p0 $0x1BF5;
	p2 =	por !p2, p0  }
0x20: {  	[sflag:s8] =	ssyncset.s32 @!p0 $0xFFFFF086;
	s6 =	sadd.s32 @!p0 s3, s7;
	s7 =	simm.s32 @!p0 $0x108  }
0x21: {  	s3 =	sadd.s32 s3, s9;
	s6 =	sadd.s32 @!p0 $0x88, s6;
	s7 =	simm.s32 @p2 $0x1082  }
0x22: {  	[simem:s7], [sflag:s8] =	dma.local @!p0 [hbm:s6], $0xF7A  }
0x23: {  	s9 =	sor.u32 $0xD0000000, s2;
	s6 =	simm.s32 $0x108;
	_ =	swait.ge @!p0 [sflag:s8], $0x0  }
0x24: {  	s3 =	sadd.s32 $0x88, s3;
	s6 =	simm.s32 @!p1 $0x1082;
	[sflag:s4] =	ssyncset.s32 $0xFFFFF086  }
0x25: {  	[simem:s6], [sflag:s4] =	dma.local [hbm:s3], $0xF7A  }
0x26: {  	[smem:$0x3F9A] =	sst s1;
	(tag) =	ssettag s2;
	_ =	strace s9  }
0x27: {  	s1 =	sld [smem:$0x3FAA]  }
0x28: {  	s2 =	sld [smem:$0x3FAB]  }
0x29: {  	s4 =	sld [smem:$0x3FAD]  }
0x2a: {  	p0 =	seq.s32 s5, $0x0;
	s5 =	sld [smem:$0x3FAE]  }
0x2b: {  	s6 =	sld [smem:$0x3FAF]  }
0x2c: {  	s7 =	sld [smem:$0x3FB0]  }
0x2d: {  	s3 =	simm.s32 $0x108;
	s8 =	sld [smem:$0x3FB1]  }
0x2e: {  	s3 =	simm.s32 @!p0 $0x1082;
	s9 =	sld [smem:$0x3FB2]  }
0x2f: {  	lr =	sadd.s32 s0, s3;
	s0 =	sld [smem:$0x3FA9]  }
0x30: {  	s3 =	sld [smem:$0x3FAC]  }
0x31: {  	[smem:$0x3FB5] =	sst s10  }
0x32: {  	s10 =	sld [smem:$0x3FB3];
	_ =	sdelay $0x3  }
0x33: {  	p0 =	seq.s32 s10, $0x1;
	s10 =	sld [smem:$0x3FB5];
	_ =	sdelay $0x3  }
0x34: {  	[smem:$0x3FB5] =	sst s10  }
0x35: {  	s10 =	sld [smem:$0x3FB4];
	_ =	sdelay $0x3  }
0x36: {  	p1 =	seq.s32 s10, $0x1;
	s10 =	sld [smem:$0x3FB5];
	_ =	sdelay $0x3  }
0x37: {  	[smem:$0x3FB5] =	sst s10  }
0x38: {  	s10 =	sld [smem:$0x3FB6]  }
0x39: {  	_ = 	snop;
	(pc) =	sbr.ind lr, $3  }
0x3a: {  	_ = 	snop  }
0x3b: {  	_ = 	snop  }
0x3c: {  	p2 =	seq.s32 s10, $0x1;
	s10 =	sld [smem:$0x3FB5]  }
0x3d: {  	_ =	shalt  }
0x3e: {  	_ =	shalt  }
0x3f: {  	_ =	shalt  }
0x40: {  	_ =	shalt  }
0x41: {  	_ =	shalt  }
0x42: {  	_ =	shalt  }
0x43: {  	_ =	shalt  }
0x44: {  	_ =	shalt  }
0x45: {  	_ =	shalt  }
0x46: {  	_ =	shalt  }
0x47: {  	_ =	shalt  }
0x48: {  	_ =	shalt  }
0x49: {  	_ =	shalt  }
0x4a: {  	_ =	shalt  }
0x4b: {  	_ =	shalt  }
0x4c: {  	_ =	shalt  }
0x4d: {  	_ =	shalt  }
0x4e: {  	_ =	shalt  }
0x4f: {  	_ =	shalt  }
0x50: {  	_ =	shalt  }
0x51: {  	_ =	shalt  }
0x52: {  	_ =	shalt  }
0x53: {  	_ =	shalt  }
0x54: {  	_ =	shalt  }
0x55: {  	_ =	shalt  }
0x56: {  	_ =	shalt  }
0x57: {  	_ =	shalt  }
0x58: {  	_ =	shalt  }
0x59: {  	_ =	shalt  }
0x5a: {  	_ =	shalt  }
0x5b: {  	_ =	shalt  }
0x5c: {  	_ =	shalt  }
0x5d: {  	_ =	shalt  }
0x5e: {  	_ =	shalt  }
0x5f: {  	_ =	shalt  }
0x60: {  	_ =	shalt  }
0x61: {  	_ =	shalt  }
0x62: {  	_ =	shalt  }
0x63: {  	_ =	shalt  }
0x64: {  	_ =	shalt  }
0x65: {  	_ =	shalt  }
0x66: {  	_ =	shalt  }
0x67: {  	_ =	shalt  }
0x68: {  	_ =	shalt  }
0x69: {  	_ =	shalt  }
0x6a: {  	_ =	shalt  }
0x6b: {  	_ =	shalt  }
0x6c: {  	_ =	shalt  }
0x6d: {  	_ =	shalt  }
0x6e: {  	_ =	shalt  }
0x6f: {  	_ =	shalt  }
0x70: {  	_ =	shalt  }
0x71: {  	_ =	shalt  }
0x72: {  	_ =	shalt  }
0x73: {  	_ =	shalt  }
0x74: {  	_ =	shalt  }
0x75: {  	_ =	shalt  }
0x76: {  	_ =	shalt  }
0x77: {  	_ =	shalt  }
0x78: {  	_ =	shalt  }
0x79: {  	_ =	shalt  }
0x7a: {  	_ =	shalt  }
0x7b: {  	_ =	shalt  }
0x7c: {  	_ =	shalt  }
0x7d: {  	_ =	shalt  }
0x7e: {  	_ =	shalt  }
0x7f: {  	_ =	shalt  }
0x80: {  	_ =	shalt  }
0x81: {  	_ =	shalt  }
0x82: {  	_ =	shalt  }
0x83: {  	_ =	shalt  }
0x84: {  	_ =	shalt  }
0x85: {  	_ =	shalt  }
0x86: {  	_ =	shalt  }
0x87: {  	_ =	shalt  }
.Lfunc_end0:
.L_simem_size_0:
called_computation_lowered:
.L_overlay_start_0:
0x88: {  	s2 =	sld [smem:$0x3FD9]  }
0x89: {  	s3 =	sld [smem:$0x3FFE];
	_ =	sdelay $0x1  }
0x8a: {  	s1 =	srdreg.scid  }
0x8b: {  	s0 =	sand.u32 $0x1, s1  }
0x8c: {  	s14 =	sshll.u32 s0, $0xA;
	s2 =	sadd.s32 s3, s2  }
0x8d: {  	s2 =	sadd.s32 s2, s14  }
0x8e: {  	[smem:$0x3FC1] =	sst s2  }
0x8f: {  	_ = 	snop  }
0x90: {  	s2 =	sld [smem:$0x3FD0];
	_ =	sdelay $0x2  }
0x91: {  	s4 =	simm.s32 $0xA;
	s5 =	simm.s32 $0x10;
	s15 =	sld [smem:$0x3FC9]  }
0x92: {  	[smem:s5], [sflag:s4] =	dma.local [hbm:s2], $0x1  }
0x93: {  	_ =	swait.eq [sflag:s4], $0x1  }
0x94: {  	[sflag:s4] =	ssyncset.done $0x0  }
0x95: {  	[sflag:s4] =	ssyncadd.s32 $0xFFFFFFFF  }
0x96: {  	s16 =	sld [smem:$0x10];
	(tm) =	ssettm $0x1  }
0x97: {  	s17 =	sld [smem:$0x3FFB];
	_ =	sdelay $0x3  }
0x98: {  	_ =	strace s17  }
0x99: {  	s4 =	sld [smem:$0x3FFC];
	_ =	sdelay $0x3  }
0x9a: {  	_ =	strace s4  }
0x9b: {  	s4 =	sld [smem:$0x3FFD];
	_ =	sdelay $0x3  }
0x9c: {  	_ =	strace s4  }
0x9d: {  	_ =	strace $0x8FFFFFFF  }
0x9e: {  	s18 =	sld [smem:$0x3FDB];
	_ =	sdelay $0x1  }
0x9f: {  	s19 =	simm.s32 $_scs_section_size  }
0xa0: {  	s6 =	simm.s32 $_size__tile_overlayer_lowered;
	s7 =	simm.s32 $_tile_overlayer_lowered  }
0xa1: {  	s22 =	simm.s32 $0x1BFF;
	s21 =	sshll.u32 s7, $0x1;
	s4 =	sadd.s32 s19, s18  }
0xa2: {  	s8 =	simm.s32 $0x0;
	s20 =	sshll.u32 s6, $0x1;
	s6 =	sadd.s32 s21, s4  }
0xa3: {  	[timem:s8], [sflag:s22] =	dma.local [hbm:s6], s20  }
0xa4: {  	_ =	swait.ge [sflag:s22], s20  }
0xa5: {  	s5 =	ssub.s32 $0x0, s20;
	[sflag:s22] =	ssyncset.done $0x0  }
0xa6: {  	[sflag:s22] =	ssyncadd.s32 s5;
	_ =	sdelay $0x1  }
0xa7: {  	s23 =	simm.s32 $0x1B8B  }
0xa8: {  	_ =	swait.ge [sflag:s23], $0x1  }
0xa9: {  	[sflag:s23] =	ssyncset.done $0x0  }
0xaa: {  	s25 =	simm.s32 $0x1B8E;
	s24 =	sld [smem:$0x3FFE];
	[sflag:s23] =	ssyncadd.s32 $0xFFFFFFFF  }
0xab: {  	s26 =	simm.s32 $execute0_lowered;
	[smem:$0x3FD2] =	sst s25  }
0xac: {  	s6 =	sshll.u32 s26, $0x1;
	_ =	strace $0x80000046;
	[dreg:$0x1] =	wrdreg $0xFFFFFFFF  }
0xad: {  	s28 =	simm.s32 $_size_execute0_lowered;
	s4 =	sadd.s32 s4, s6;
	[dreg:$0x0] =	wrdreg $0x0  }
0xae: {  	s6 =	sshll.u32 s28, $0x1;
	[dreg:$0x2] =	wrdreg s4  }
0xaf: {  	[dreg:$0x3] =	wrdreg s6  }
0xb0: {  	[dreg:$0x4] =	wrdreg $0xC0  }
0xb1: {  	_ =	task [dreg:s8], $0x5FFFF  }
0xb2: {  	[dreg:$0x1] =	wrdreg $0xFFFFFFFF  }
0xb3: {  	[dreg:$0x0] =	wrdreg $0x60  }
0xb4: {  	[dreg:$0x2] =	wrdreg s15  }
0xb5: {  	[dreg:$0x3] =	wrdreg s24  }
0xb6: {  	[dreg:$0x4] =	wrdreg s16  }
0xb7: {  	[dreg:$0x5] =	wrdreg $0x9  }
0xb8: {  	_ =	task.clear_ibuf [dreg:s8], $0x6FFFF;
	_ =	strace $0x90000046  }
0xb9: {  	s29 =	simm.s32 $0x9;
	_ =	strace $0x80000048  }
0xba: {  	_ =	swait.ge [sflag:s29], $0x1  }
0xbb: {  	[sflag:s29] =	ssyncadd.s32 $0xFFFFFFFF  }
0xbc: {  	_ =	strace $0x90000048  }
0xbd: {  	_ =	sfence  }
0xbe: {  	s30 =	sld [smem:$0x0];
	_ =	sdelay $0x2  }
0xbf: {  	s31 =	sshll.u32 s1, $0xD;
	s1 =	sshrl.u32 s1, $0x2  }
0xc0: {  	s3 =	sand.u32 $0x4000, s31;
	s1 =	sadd.s32 s1, s30  }
0xc1: {  	s0 =	sor.u32 s3, s0;
	s1 =	sshll.u32 s1, $0x11  }
0xc2: {  	s0 =	sor.u32 s1, s0  }
0xc3: {  	s0 =	sadd.s32 $0x8F2B, s0  }
0xc4: {  	[sflag:s0] =	ssyncadd.remote.s32 $0x1  }
0xc5: {  	_ =	sfence.sel $0xFFFF  }
0xc6: {  	[dreg:$0x0] =	wrdreg $0xFFFFFFFF;
	(pc) =	sbr.abs _section_cstart, $3  }
0xc7: {  	[dreg:$0x1] =	wrdreg $0xFFFFFFFF  }
0xc8: {  	_ =	task.clear_ibuf [dreg:s8], $0x2FFFF;
	_ =	strace $0x9FFFFFFF  }
0xc9: {  	(tm) =	ssettm $0x7FFFFFFF  }
tec
execute0_lowered:
.L_overlay_start_1:
0x0: {  	(tag) =	ssettag $0x1  }
0x1: {  	s1 =	rddreg [dreg:$0x0]  }
0x2: {  	s2 =	srdreg.scid;
	s4 =	rddreg [dreg:$0x1]  }
0x3: {  	s0 =	stileid.u32;
	s3 =	simm.s32 $0x0;
	s8 =	simm.s32 $0x80  }
0x4: {  	s26 =	simm.s32 $0x880;
	s9 =	simm.s32 $0x1080;
	s10 =	simm.s32 $0x1880  }
0x5: {  	s11 =	simm.s32 $0x2080;
	s12 =	simm.s32 $0x2880;
	s13 =	simm.s32 $0x3080  }
0x6: {  	s14 =	simm.s32 $0x3880;
	s15 =	simm.s32 $0x4080;
	s16 =	simm.s32 $0x4880  }
0x7: {  	s17 =	simm.s32 $0x5080;
	s18 =	simm.s32 $0x5880;
	s19 =	simm.s32 $0x6080  }
0x8: {  	s20 =	simm.s32 $0x6880;
	s21 =	simm.s32 $0x7080;
	s22 =	simm.s32 $0x7880  }
0x9: {  	s23 =	simm.s32 $0x8080;
	s28 =	simm.s32 $0xA080;
	s29 =	simm.s32 $0xA880  }
0xa: {  	s30 =	simm.s32 $0xB080;
	s5 =	sand.u32 $0x1, s2;
	s2 =	rddreg [dreg:$0x2]  }
0xb: {  	s31 =	simm.s32 $0xB880;
	s6 =	sshll.u32 s0, $0x4;
	[smem:$0x7FF] =	sst s3  }
0xc: {  	s7 =	sshll.u32 s5, $0x3;
	_ =	strace $0x80000047;
	s5 =	ssub.s32 $0x2, s5  }
0xd: {  	[dreg:$0x6] =	wrdreg s26;
	s26 =	simm.s32 $0x9880;
	s6 =	sor.u32 s7, s6  }
0xe: {  	s24 =	sshrl.u32 s5, $0x1;
	s7 =	simm.s32 $0x2;
	s4 =	sadd.s32 s6, s4  }
0xf: {  	s6 =	smul.u32 $0x300, s6;
	s25 =	ssub.s32 s5, s24;
	s4 =	sadd.s32 $0x1400, s4  }
0x10: {  	v2 =	vlaneseq.u32;
	s5 =	sadd.s32 $0x200, s2;
	s24 =	simm.s32 $0x8880;
	[dreg:$0x4] =	wrdreg s4  }
0x11: {  	vm0 =	vmmov $0xffff;
	v1 =	vshrl.u32 v2, $0x3;
	s1 =	sadd.s32 s1, s6;
	s4 =	sadd.s32 $0x100, s2;
	s6 =	smax.u32 s25, $0x1  }
0x12: {  	v0 =	vand.u32 $0x7, v2;
	v2 =	vor.u32 $0x8, v2;
	v1 =	vmul.u32 $0x8, v1;
	s25 =	simm.s32 $0x9080;
	[dreg:$0x5] =	wrdreg s1;
	s1 =	simm.s32 $0x1  }
.LBB2_1:
0x13: {  	s0 =	rddreg [dreg:$0x4]  }
0x14: {  	[tilespmem:s3], [sflag:$0x2] =	stream.linear.gather [hbm4b:s0+s3], $0x40, $0x38;
	[tilespmem:$0xC080] =	vst v63  }
0x15: {  	_ =	swait.ge [sflag:s7], $0x40  }
0x16: {  	[sflag:s7] =	ssyncset.done $0x0  }
0x17: {  	s0 =	rddreg [dreg:$0x5];
	[sflag:s7] =	ssyncadd.s32 $0xFFFFFFC0  }
0x18: {  	[tilespmem:s8], [sflag:$0x2] =	stream.linear.gather [hbm4b:s0+s3], $0xC000, $0x38;
	[tilespmem:$0xC080] =	vst v63  }
0x19: {  	_ =	swait.ge [sflag:s7], $0xC000  }
0x1a: {  	[sflag:s7] =	ssyncset.done $0x0  }
0x1b: {  	[sflag:s7] =	ssyncadd.s32 $0xFFFF4000  }
0x1c: {  	v3 =	vld [tilespmem:$0x0];
	_ =	sdelay $0x4  }
0x1d: {  	v4 =	vshrl.u32 v3, $0x3  }
0x1e: {  	v4 =	vmul.u32 $0x30, v4  }
0x1f: {  	v3 =	vand.u32 $0x7, v3  }
0x20: {  	v3 =	vor.u32 v3, v4  }
0x21: {  	v4 =	vperm.xlane v3, v0;
	_ =	sdelay $0x1  }
0x22: {  	v4 =	vadd.s32 v1, v4;
	_ =	sdelay $0x3  }
0x23: {  	v3 =	vperm.xlane v3, v2  }
0x24: {  	[hbm4b:s2+s3] =	stream.indirect_vreg.scatter [tilespmem:s8], [sflag:$0x1], $0x80, v4, vm0, $0xb8;
	[tilespmem:$0xC080] =	vst v63  }
0x25: {  	s0 =	rddreg [dreg:$0x6];
	v3 =	vadd.s32 v1, v3  }
0x26: {  	[hbm4b:s4+s3] =	stream.indirect_vreg.scatter [tilespmem:s0], [sflag:$0x1], $0x80, v4, vm0, $0xb8;
	[tilespmem:$0xC080] =	vst v63  }
0x27: {  	_ = 	snop  }
0x28: {  	[hbm4b:s5+s3] =	stream.indirect_vreg.scatter [tilespmem:s9], [sflag:$0x1], $0x80, v4, vm0, $0xb8;
	[tilespmem:$0xC080] =	vst v63  }
0x29: {  	_ = 	snop  }
0x2a: {  	[hbm4b:s2+s3] =	stream.indirect_vreg.scatter [tilespmem:s10], [sflag:$0x1], $0x80, v3, vm0, $0xb8;
	[tilespmem:$0xC080] =	vst v63  }
0x2b: {  	_ = 	snop  }
0x2c: {  	[hbm4b:s4+s3] =	stream.indirect_vreg.scatter [tilespmem:s11], [sflag:$0x1], $0x80, v3, vm0, $0xb8;
	[tilespmem:$0xC080] =	vst v63  }
0x2d: {  	_ = 	snop  }
0x2e: {  	[hbm4b:s5+s3] =	stream.indirect_vreg.scatter [tilespmem:s12], [sflag:$0x1], $0x80, v3, vm0, $0xb8;
	[tilespmem:$0xC080] =	vst v63  }
0x2f: {  	v3 =	vld [tilespmem:$0x10];
	_ =	sdelay $0x4  }
0x30: {  	v61 =	vshrl.u32 v3, $0x3  }
0x31: {  	v4 =	vmul.u32 $0x30, v61  }
0x32: {  	v3 =	vand.u32 $0x7, v3  }
0x33: {  	v3 =	vor.u32 v3, v4  }
0x34: {  	v4 =	vperm.xlane v3, v0;
	_ =	sdelay $0x1  }
0x35: {  	v4 =	vadd.s32 v1, v4;
	_ =	sdelay $0x3  }
0x36: {  	v3 =	vperm.xlane v3, v2  }
0x37: {  	[hbm4b:s2+s3] =	stream.indirect_vreg.scatter [tilespmem:s13], [sflag:$0x1], $0x80, v4, vm0, $0xb8;
	[tilespmem:$0xC080] =	vst v63  }
0x38: {  	v3 =	vadd.s32 v1, v3  }
0x39: {  	[hbm4b:s4+s3] =	stream.indirect_vreg.scatter [tilespmem:s14], [sflag:$0x1], $0x80, v4, vm0, $0xb8;
	[tilespmem:$0xC080] =	vst v63  }
0x3a: {  	_ = 	snop  }
0x3b: {  	[hbm4b:s5+s3] =	stream.indirect_vreg.scatter [tilespmem:s15], [sflag:$0x1], $0x80, v4, vm0, $0xb8;
	[tilespmem:$0xC080] =	vst v63  }
0x3c: {  	_ = 	snop  }
0x3d: {  	[hbm4b:s2+s3] =	stream.indirect_vreg.scatter [tilespmem:s16], [sflag:$0x1], $0x80, v3, vm0, $0xb8;
	[tilespmem:$0xC080] =	vst v63  }
0x3e: {  	_ = 	snop  }
0x3f: {  	[hbm4b:s4+s3] =	stream.indirect_vreg.scatter [tilespmem:s17], [sflag:$0x1], $0x80, v3, vm0, $0xb8;
	[tilespmem:$0xC080] =	vst v63  }
0x40: {  	_ = 	snop  }
0x41: {  	[hbm4b:s5+s3] =	stream.indirect_vreg.scatter [tilespmem:s18], [sflag:$0x1], $0x80, v3, vm0, $0xb8;
	[tilespmem:$0xC080] =	vst v63  }
0x42: {  	v3 =	vld [tilespmem:$0x20];
	_ =	sdelay $0x4  }
0x43: {  	v62 =	vshrl.u32 v3, $0x3  }
0x44: {  	v4 =	vmul.u32 $0x30, v62  }
0x45: {  	v3 =	vand.u32 $0x7, v3  }
0x46: {  	v3 =	vor.u32 v3, v4  }
0x47: {  	v4 =	vperm.xlane v3, v0;
	_ =	sdelay $0x1  }
0x48: {  	v4 =	vadd.s32 v1, v4;
	_ =	sdelay $0x3  }
0x49: {  	v3 =	vperm.xlane v3, v2  }
0x4a: {  	[hbm4b:s2+s3] =	stream.indirect_vreg.scatter [tilespmem:s19], [sflag:$0x1], $0x80, v4, vm0, $0xb8;
	[tilespmem:$0xC080] =	vst v63  }
0x4b: {  	v3 =	vadd.s32 v1, v3  }
0x4c: {  	[hbm4b:s4+s3] =	stream.indirect_vreg.scatter [tilespmem:s20], [sflag:$0x1], $0x80, v4, vm0, $0xb8;
	[tilespmem:$0xC080] =	vst v63  }
0x4d: {  	_ = 	snop  }
0x4e: {  	[hbm4b:s5+s3] =	stream.indirect_vreg.scatter [tilespmem:s21], [sflag:$0x1], $0x80, v4, vm0, $0xb8;
	[tilespmem:$0xC080] =	vst v63  }
0x4f: {  	_ = 	snop  }
0x50: {  	[hbm4b:s2+s3] =	stream.indirect_vreg.scatter [tilespmem:s22], [sflag:$0x1], $0x80, v3, vm0, $0xb8;
	[tilespmem:$0xC080] =	vst v63  }
0x51: {  	_ = 	snop  }
0x52: {  	[hbm4b:s4+s3] =	stream.indirect_vreg.scatter [tilespmem:s23], [sflag:$0x1], $0x80, v3, vm0, $0xb8;
	[tilespmem:$0xC080] =	vst v63  }
0x53: {  	_ = 	snop  }
0x54: {  	[hbm4b:s5+s3] =	stream.indirect_vreg.scatter [tilespmem:s24], [sflag:$0x1], $0x80, v3, vm0, $0xb8;
	[tilespmem:$0xC080] =	vst v63  }
0x55: {  	v3 =	vld [tilespmem:$0x30];
	_ =	sdelay $0x4  }
0x56: {  	v63 =	vshrl.u32 v3, $0x3  }
0x57: {  	v4 =	vmul.u32 $0x30, v63  }
0x58: {  	v3 =	vand.u32 $0x7, v3  }
0x59: {  	v3 =	vor.u32 v3, v4  }
0x5a: {  	v4 =	vperm.xlane v3, v0;
	_ =	sdelay $0x1  }
0x5b: {  	v4 =	vadd.s32 v1, v4;
	_ =	sdelay $0x3  }
0x5c: {  	v3 =	vperm.xlane v3, v2  }
0x5d: {  	[hbm4b:s2+s3] =	stream.indirect_vreg.scatter [tilespmem:s25], [sflag:$0x1], $0x80, v4, vm0, $0xb8;
	[tilespmem:$0xC080] =	vst v63  }
0x5e: {  	v3 =	vadd.s32 v1, v3  }
0x5f: {  	[hbm4b:s4+s3] =	stream.indirect_vreg.scatter [tilespmem:s26], [sflag:$0x1], $0x80, v4, vm0, $0xb8;
	[tilespmem:$0xC080] =	vst v63  }
0x60: {  	_ = 	snop  }
0x61: {  	[hbm4b:s5+s3] =	stream.indirect_vreg.scatter [tilespmem:s28], [sflag:$0x1], $0x80, v4, vm0, $0xb8;
	[tilespmem:$0xC080] =	vst v63  }
0x62: {  	_ = 	snop  }
0x63: {  	[hbm4b:s2+s3] =	stream.indirect_vreg.scatter [tilespmem:s29], [sflag:$0x1], $0x80, v3, vm0, $0xb8;
	[tilespmem:$0xC080] =	vst v63  }
0x64: {  	p0 =	sne.s32 s6, $0x1  }
0x65: {  	[hbm4b:s4+s3] =	stream.indirect_vreg.scatter [tilespmem:s30], [sflag:$0x1], $0x80, v3, vm0, $0xb8;
	[tilespmem:$0xC080] =	vst v63  }
.Ltmp0:
0x66: {  	_ = 	snop;
	(pc) =	sbr.rel @p0 .LBB2_1-.Ltmp0, $4  }
0x67: {  	[hbm4b:s5+s3] =	stream.indirect_vreg.scatter [tilespmem:s31], [sflag:$0x1], $0x80, v3, vm0, $0xb8;
	[tilespmem:$0xC080] =	vst v63  }
0x68: {  	_ =	swait.ge [sflag:s1], $0xC000  }
0x69: {  	[sflag:s1] =	ssyncset.done $0x0  }
0x6a: {  	s6 =	sadd.s32 $0xFFFFFFFF, s6;
	[sflag:s1] =	ssyncadd.s32 $0xFFFF4000  }
0x6b: {  	_ =	sfence.sel $0x180000  }
0x6c: {  	[bflag:$0x0] =	sbarrier.arrive $0xFFFF  }
0x6d: {  	_ =	strace $0x90000047  }
0x6e: {  	s0 =	stileid.u32;
	[bflag:$0x2] =	sbarrier.arrive $0xFFFF  }
0x6f: {  	p0 =	sne.s32 s0, $0x0;
	s0 =	rddreg [dreg:$0x3]  }
0x70: {  	s0 =	sadd.s32 @!p0 $0x100000, s0  }
0x71: {  	[sflag:s0] =	ssyncadd.tile.s32 @!p0 $0x1;
	_ =	shalt  }
.Lfunc_end2:
_tile_overlayer_lowered:
.L_overlay_start_2:
0x72: {  	(tag) =	ssettag $0x2  }
0x73: {  	s0 =	rddreg [dreg:$0x0];
	s2 =	stileid.u32  }
0x74: {  	s1 =	rddreg [dreg:$0x1];
	p0 =	sne.s32 s2, $0x0  }
0x75: {  	s3 =	rddreg [dreg:$0x2];
	[bflag:$0x3] =	sbarrier.arrive $0xFFFF;
	s2 =	simm.s32 @!p0 $0x1C02  }
0x76: {  	[timem:s3], [sflag:s2] =	dma.local @!p0 [hbm:s0], s1  }
0x77: {  	s0 =	simm.s32 @!p0 $0x2  }
0x78: {  	_ =	swait.ge @!p0 [sflag:s0], s1  }
0x79: {  	s1 =	ssub.s32 @!p0 $0x0, s1;
	[sflag:s0] =	ssyncset.done @!p0 $0x0  }
0x7a: {  	[sflag:s0] =	ssyncadd.s32 @!p0 s1  }
0x7b: {  	[bflag:$0x3] =	sbarrier.arrive $0xFFFF  }
0x7c: {  	_ =	shalt  }

// kernel: kernel.9.cloned.1.call-start
scs
__scs_entry_jumppad:
0x0: {  	(pc) =	sbr.rel $0x88, $3  }
0x1: {  	(tag) =	ssettag $0x0;
	lr =	simm.s32 $0x1  }
0x2: {  	[smem:$0x3F9A] =	sst lr;
	_ =	strace $0xD0000000  }
0x3: {  	_ = 	snop  }
0x4: {  	_ = 	snop  }
0x5: {  	_ = 	snop  }
0x6: {  	_ = 	snop  }
0x7: {  	_ = 	snop  }
__scs_overlays_trampoline_lowered:
0x8: {  	[smem:$0x3FA9] =	sst s0  }
0x9: {  	[smem:$0x3FAA] =	sst s1  }
0xa: {  	[smem:$0x3FAB] =	sst s2  }
0xb: {  	[smem:$0x3FAC] =	sst s3  }
0xc: {  	[smem:$0x3FAD] =	sst s4  }
0xd: {  	[smem:$0x3FAE] =	sst s5  }
0xe: {  	[smem:$0x3FAF] =	sst s6  }
0xf: {  	[smem:$0x3FB0] =	sst s7  }
0x10: {  	[smem:$0x3FB1] =	sst s8  }
0x11: {  	[smem:$0x3FB2] =	sst s9;
	s0 =	simm.s32 @!p0 $0x0  }
0x12: {  	s1 =	sld [smem:$0x3F98];
	s0 =	simm.s32 @p0 $0x1  }
0x13: {  	[smem:$0x3FB3] =	sst s0;
	s0 =	simm.s32 @!p1 $0x0  }
0x14: {  	s2 =	sld [smem:$0x3F97];
	s0 =	simm.s32 @p1 $0x1  }
0x15: {  	[smem:$0x3FB4] =	sst s0;
	s0 =	simm.s32 @!p2 $0x0  }
0x16: {  	s3 =	sld [smem:$0x3FDB];
	s0 =	simm.s32 @p2 $0x1  }
0x17: {  	s4 =	simm.s32 $0x1BF5;
	[smem:$0x3FB6] =	sst s0  }
0x18: {  	s0 =	sld [smem:$0x3F99];
	_ =	swait.ge [sflag:s4], $0x0  }
0x19: {  	s7 =	sld [smem:$0x3F9A]  }
0x1a: {  	s8 =	sadd.s32 $0xFFFFE003, lr  }
0x1b: {  	s9 =	sadd.s32 $0xFFFFFEF7, lr;
	s5 =	simm.s32 $0xFFFFFFFF;
	p2 =	slt.u32 s8, $0xFFFFF086  }
0x1c: {  	p1 =	slt.u32 s9, $0xF7A;
	s5 =	simm.s32 @!p2 $0x0  }
0x1d: {  	s5 =	simm.s32 @p1 $0x1;
	p0 =	seq.s32 s7, s2  }
0x1e: {  	s7 =	smul.u32 @!p0 $0xF7A, s2;
	p2 =	seq.s32 @!p0 s5, $0x0  }
0x1f: {  	s9 =	smul.u32 $0xF7A, s1;
	s8 =	simm.s32 @!p0 $0x1BF5;
	p2 =	por !p2, p0  }
0x20: {  	[sflag:s8] =	ssyncset.s32 @!p0 $0xFFFFF086;
	s6 =	sadd.s32 @!p0 s3, s7;
	s7 =	simm.s32 @!p0 $0x108  }
0x21: {  	s3 =	sadd.s32 s3, s9;
	s6 =	sadd.s32 @!p0 $0x88, s6;
	s7 =	simm.s32 @p2 $0x1082  }
0x22: {  	[simem:s7], [sflag:s8] =	dma.local @!p0 [hbm:s6], $0xF7A  }
0x23: {  	s9 =	sor.u32 $0xD0000000, s2;
	s6 =	simm.s32 $0x108;
	_ =	swait.ge @!p0 [sflag:s8], $0x0  }
0x24: {  	s3 =	sadd.s32 $0x88, s3;
	s6 =	simm.s32 @!p1 $0x1082;
	[sflag:s4] =	ssyncset.s32 $0xFFFFF086  }
0x25: {  	[simem:s6], [sflag:s4] =	dma.local [hbm:s3], $0xF7A  }
0x26: {  	[smem:$0x3F9A] =	sst s1;
	(tag) =	ssettag s2;
	_ =	strace s9  }
0x27: {  	s1 =	sld [smem:$0x3FAA]  }
0x28: {  	s2 =	sld [smem:$0x3FAB]  }
0x29: {  	s4 =	sld [smem:$0x3FAD]  }
0x2a: {  	p0 =	seq.s32 s5, $0x0;
	s5 =	sld [smem:$0x3FAE]  }
0x2b: {  	s6 =	sld [smem:$0x3FAF]  }
0x2c: {  	s7 =	sld [smem:$0x3FB0]  }
0x2d: {  	s3 =	simm.s32 $0x108;
	s8 =	sld [smem:$0x3FB1]  }
0x2e: {  	s3 =	simm.s32 @!p0 $0x1082;
	s9 =	sld [smem:$0x3FB2]  }
0x2f: {  	lr =	sadd.s32 s0, s3;
	s0 =	sld [smem:$0x3FA9]  }
0x30: {  	s3 =	sld [smem:$0x3FAC]  }
0x31: {  	[smem:$0x3FB5] =	sst s10  }
0x32: {  	s10 =	sld [smem:$0x3FB3];
	_ =	sdelay $0x3  }
0x33: {  	p0 =	seq.s32 s10, $0x1;
	s10 =	sld [smem:$0x3FB5];
	_ =	sdelay $0x3  }
0x34: {  	[smem:$0x3FB5] =	sst s10  }
0x35: {  	s10 =	sld [smem:$0x3FB4];
	_ =	sdelay $0x3  }
0x36: {  	p1 =	seq.s32 s10, $0x1;
	s10 =	sld [smem:$0x3FB5];
	_ =	sdelay $0x3  }
0x37: {  	[smem:$0x3FB5] =	sst s10  }
0x38: {  	s10 =	sld [smem:$0x3FB6]  }
0x39: {  	_ = 	snop;
	(pc) =	sbr.ind lr, $3  }
0x3a: {  	_ = 	snop  }
0x3b: {  	_ = 	snop  }
0x3c: {  	p2 =	seq.s32 s10, $0x1;
	s10 =	sld [smem:$0x3FB5]  }
0x3d: {  	_ =	shalt  }
0x3e: {  	_ =	shalt  }
0x3f: {  	_ =	shalt  }
0x40: {  	_ =	shalt  }
0x41: {  	_ =	shalt  }
0x42: {  	_ =	shalt  }
0x43: {  	_ =	shalt  }
0x44: {  	_ =	shalt  }
0x45: {  	_ =	shalt  }
0x46: {  	_ =	shalt  }
0x47: {  	_ =	shalt  }
0x48: {  	_ =	shalt  }
0x49: {  	_ =	shalt  }
0x4a: {  	_ =	shalt  }
0x4b: {  	_ =	shalt  }
0x4c: {  	_ =	shalt  }
0x4d: {  	_ =	shalt  }
0x4e: {  	_ =	shalt  }
0x4f: {  	_ =	shalt  }
0x50: {  	_ =	shalt  }
0x51: {  	_ =	shalt  }
0x52: {  	_ =	shalt  }
0x53: {  	_ =	shalt  }
0x54: {  	_ =	shalt  }
0x55: {  	_ =	shalt  }
0x56: {  	_ =	shalt  }
0x57: {  	_ =	shalt  }
0x58: {  	_ =	shalt  }
0x59: {  	_ =	shalt  }
0x5a: {  	_ =	shalt  }
0x5b: {  	_ =	shalt  }
0x5c: {  	_ =	shalt  }
0x5d: {  	_ =	shalt  }
0x5e: {  	_ =	shalt  }
0x5f: {  	_ =	shalt  }
0x60: {  	_ =	shalt  }
0x61: {  	_ =	shalt  }
0x62: {  	_ =	shalt  }
0x63: {  	_ =	shalt  }
0x64: {  	_ =	shalt  }
0x65: {  	_ =	shalt  }
0x66: {  	_ =	shalt  }
0x67: {  	_ =	shalt  }
0x68: {  	_ =	shalt  }
0x69: {  	_ =	shalt  }
0x6a: {  	_ =	shalt  }
0x6b: {  	_ =	shalt  }
0x6c: {  	_ =	shalt  }
0x6d: {  	_ =	shalt  }
0x6e: {  	_ =	shalt  }
0x6f: {  	_ =	shalt  }
0x70: {  	_ =	shalt  }
0x71: {  	_ =	shalt  }
0x72: {  	_ =	shalt  }
0x73: {  	_ =	shalt  }
0x74: {  	_ =	shalt  }
0x75: {  	_ =	shalt  }
0x76: {  	_ =	shalt  }
0x77: {  	_ =	shalt  }
0x78: {  	_ =	shalt  }
0x79: {  	_ =	shalt  }
0x7a: {  	_ =	shalt  }
0x7b: {  	_ =	shalt  }
0x7c: {  	_ =	shalt  }
0x7d: {  	_ =	shalt  }
0x7e: {  	_ =	shalt  }
0x7f: {  	_ =	shalt  }
0x80: {  	_ =	shalt  }
0x81: {  	_ =	shalt  }
0x82: {  	_ =	shalt  }
0x83: {  	_ =	shalt  }
0x84: {  	_ =	shalt  }
0x85: {  	_ =	shalt  }
0x86: {  	_ =	shalt  }
0x87: {  	_ =	shalt  }
.Lfunc_end0:
.L_simem_size_0:
called_computation.1_lowered:
.L_overlay_start_0:
0x88: {  	s2 =	sld [smem:$0x3FD9]  }
0x89: {  	s3 =	sld [smem:$0x3FFE];
	_ =	sdelay $0x1  }
0x8a: {  	s1 =	srdreg.scid  }
0x8b: {  	s0 =	sand.u32 $0x1, s1  }
0x8c: {  	s14 =	sshll.u32 s0, $0xA;
	s2 =	sadd.s32 s3, s2  }
0x8d: {  	s2 =	sadd.s32 s2, s14  }
0x8e: {  	[smem:$0x3FC1] =	sst s2  }
0x8f: {  	_ = 	snop  }
0x90: {  	s2 =	sld [smem:$0x3FD0];
	_ =	sdelay $0x2  }
0x91: {  	s15 =	simm.s32 $0xA;
	s4 =	simm.s32 $0x10  }
0x92: {  	[smem:s4], [sflag:s15] =	dma.local [hbm:s2], $0x1  }
0x93: {  	_ =	swait.eq [sflag:s15], $0x1  }
0x94: {  	[sflag:s15] =	ssyncset.done $0x0  }
0x95: {  	[sflag:s15] =	ssyncadd.s32 $0xFFFFFFFF  }
0x96: {  	s16 =	sld [smem:$0x10];
	(tm) =	ssettm $0x1  }
0x97: {  	s17 =	sld [smem:$0x3FFB];
	_ =	sdelay $0x3  }
0x98: {  	_ =	strace s17  }
0x99: {  	s3 =	sld [smem:$0x3FFC];
	_ =	sdelay $0x3  }
0x9a: {  	_ =	strace s3  }
0x9b: {  	s3 =	sld [smem:$0x3FFD];
	_ =	sdelay $0x3  }
0x9c: {  	_ =	strace s3  }
0x9d: {  	_ =	strace $0x8FFFFFFF  }
0x9e: {  	s18 =	sld [smem:$0x3FDB];
	_ =	sdelay $0x1  }
0x9f: {  	s19 =	simm.s32 $_scs_section_size  }
0xa0: {  	s5 =	simm.s32 $_size__tile_overlayer_lowered;
	s6 =	simm.s32 $_tile_overlayer_lowered  }
0xa1: {  	s22 =	simm.s32 $0x1BFF;
	s21 =	sshll.u32 s6, $0x1;
	s3 =	sadd.s32 s19, s18  }
0xa2: {  	s7 =	simm.s32 $0x0;
	s20 =	sshll.u32 s5, $0x1;
	s5 =	sadd.s32 s21, s3  }
0xa3: {  	[timem:s7], [sflag:s22] =	dma.local [hbm:s5], s20  }
0xa4: {  	_ =	swait.ge [sflag:s22], s20  }
0xa5: {  	s4 =	ssub.s32 $0x0, s20;
	[sflag:s22] =	ssyncset.done $0x0  }
0xa6: {  	[sflag:s22] =	ssyncadd.s32 s4;
	_ =	sdelay $0x1  }
0xa7: {  	s23 =	simm.s32 $0x1B8B  }
0xa8: {  	_ =	swait.ge [sflag:s23], $0x1  }
0xa9: {  	[sflag:s23] =	ssyncset.done $0x0  }
0xaa: {  	s25 =	simm.s32 $0x1B8E;
	s24 =	sld [smem:$0x3FFE];
	[sflag:s23] =	ssyncadd.s32 $0xFFFFFFFF  }
0xab: {  	s26 =	simm.s32 $execute0_lowered;
	[smem:$0x3FD2] =	sst s25  }
0xac: {  	s5 =	sshll.u32 s26, $0x1;
	_ =	strace $0x80000049;
	[dreg:$0x1] =	wrdreg $0xFFFFFFFF  }
0xad: {  	s28 =	simm.s32 $_size_execute0_lowered;
	s3 =	sadd.s32 s3, s5;
	[dreg:$0x0] =	wrdreg $0x0  }
0xae: {  	s5 =	sshll.u32 s28, $0x1;
	[dreg:$0x2] =	wrdreg s3  }
0xaf: {  	[dreg:$0x3] =	wrdreg s5  }
0xb0: {  	[dreg:$0x4] =	wrdreg $0xC0  }
0xb1: {  	_ =	task [dreg:s7], $0x5FFFF  }
0xb2: {  	[dreg:$0x1] =	wrdreg $0xFFFFFFFF  }
0xb3: {  	[dreg:$0x0] =	wrdreg $0x60  }
0xb4: {  	[dreg:$0x2] =	wrdreg s24  }
0xb5: {  	[dreg:$0x3] =	wrdreg s16  }
0xb6: {  	[dreg:$0x4] =	wrdreg $0x9  }
0xb7: {  	_ =	task.clear_ibuf [dreg:s7], $0x5FFFF;
	_ =	strace $0x90000049  }
0xb8: {  	s29 =	simm.s32 $0x9;
	_ =	strace $0x8000004B  }
0xb9: {  	_ =	swait.ge [sflag:s29], $0x1  }
0xba: {  	[sflag:s29] =	ssyncadd.s32 $0xFFFFFFFF  }
0xbb: {  	_ =	strace $0x9000004B  }
0xbc: {  	_ =	sfence  }
0xbd: {  	s30 =	sld [smem:$0x0];
	_ =	sdelay $0x2  }
0xbe: {  	s31 =	sshll.u32 s1, $0xD;
	s1 =	sshrl.u32 s1, $0x2  }
0xbf: {  	s3 =	sand.u32 $0x4000, s31;
	s1 =	sadd.s32 s1, s30  }
0xc0: {  	s0 =	sor.u32 s3, s0;
	s1 =	sshll.u32 s1, $0x11  }
0xc1: {  	s0 =	sor.u32 s1, s0  }
0xc2: {  	s0 =	sadd.s32 $0x8F2B, s0  }
0xc3: {  	[sflag:s0] =	ssyncadd.remote.s32 $0x1  }
0xc4: {  	_ =	sfence.sel $0xFFFF  }
0xc5: {  	[dreg:$0x0] =	wrdreg $0xFFFFFFFF;
	(pc) =	sbr.abs _section_cstart, $3  }
0xc6: {  	[dreg:$0x1] =	wrdreg $0xFFFFFFFF  }
0xc7: {  	_ =	task.clear_ibuf [dreg:s7], $0x2FFFF;
	_ =	strace $0x9FFFFFFF  }
0xc8: {  	(tm) =	ssettm $0x7FFFFFFF  }
0xc9: {  	_ =	shalt  }
tec
execute0_lowered:
.L_overlay_start_1:
0x0: {  	(tag) =	ssettag $0x1  }
0x1: {  	s0 =	rddreg [dreg:$0x0]  }
0x2: {  	s5 =	rddreg [dreg:$0x1];
	s3 =	srdreg.scid  }
0x3: {  	s2 =	simm.s32 $0x0;
	s1 =	stileid.u32;
	s26 =	simm.s32 $0x880  }
0x4: {  	s10 =	simm.s32 $0x1880;
	s11 =	simm.s32 $0x2080;
	s12 =	simm.s32 $0x2880  }
0x5: {  	s13 =	simm.s32 $0x3080;
	s14 =	simm.s32 $0x3880;
	s15 =	simm.s32 $0x4080  }
0x6: {  	s16 =	simm.s32 $0x4880;
	s17 =	simm.s32 $0x5080;
	s18 =	simm.s32 $0x5880  }
0x7: {  	s19 =	simm.s32 $0x6080;
	s20 =	simm.s32 $0x6880;
	s21 =	simm.s32 $0x7080  }
0x8: {  	s22 =	simm.s32 $0x7880;
	s28 =	simm.s32 $0xA080;
	s29 =	simm.s32 $0xA880  }
0x9: {  	s30 =	simm.s32 $0xB080;
	s31 =	simm.s32 $0xB880;
	s3 =	sand.u32 $0x1, s3  }
0xa: {  	[smem:$0x7FF] =	sst s2;
	s4 =	sshll.u32 s1, $0x4;
	s6 =	sshll.u32 s3, $0x3  }
0xb: {  	_ =	strace $0x8000004A;
	s23 =	ssub.s32 $0x2, s3;
	s3 =	sadd.s32 $0x8E00, s0  }
0xc: {  	[dreg:$0x5] =	wrdreg s26;
	s26 =	simm.s32 $0x9880;
	s4 =	sor.u32 s6, s4  }
0xd: {  	s8 =	sshrl.u32 s23, $0x1;
	s7 =	sadd.s32 s4, s0;
	s9 =	smul.u32 $0x300, s4  }
0xe: {  	s6 =	ssub.s32 s23, s8;
	s4 =	sadd.s32 $0x8F00, s0;
	s8 =	simm.s32 $0x80  }
0xf: {  	s23 =	simm.s32 $0x8080;
	s24 =	sadd.s32 $0x1400, s7;
	s6 =	smax.u32 s6, $0x1  }
0x10: {  	v2 =	vlaneseq.u32;
	s7 =	simm.s32 $0x2;
	[dreg:$0x3] =	wrdreg s24;
	s25 =	sadd.s32 s5, s9  }
0x11: {  	vm0 =	vmmov $0xffff;
	v1 =	vshrl.u32 v2, $0x3;
	s5 =	sadd.s32 $0x9000, s0;
	s9 =	simm.s32 $0x1080;
	s24 =	simm.s32 $0x8880  }
0x12: {  	v0 =	vand.u32 $0x7, v2;
	v2 =	vor.u32 $0x8, v2;
	v1 =	vmul.u32 $0x8, v1;
	s0 =	simm.s32 $0x1;
	[dreg:$0x4] =	wrdreg s25;
	s25 =	simm.s32 $0x9080  }
.LBB2_1:
0x13: {  	s1 =	rddreg [dreg:$0x3]  }
0x14: {  	[tilespmem:s2], [sflag:$0x2] =	stream.linear.gather [hbm4b:s1+s2], $0x40, $0x38;
	[tilespmem:$0xC080] =	vst v63  }
0x15: {  	_ =	swait.ge [sflag:s7], $0x40  }
0x16: {  	[sflag:s7] =	ssyncset.done $0x0  }
0x17: {  	[sflag:s7] =	ssyncadd.s32 $0xFFFFFFC0  }
0x18: {  	v3 =	vld [tilespmem:$0x0];
	_ =	sdelay $0x4  }
0x19: {  	v4 =	vshrl.u32 v3, $0x3  }
0x1a: {  	v4 =	vmul.u32 $0x30, v4  }
0x1b: {  	v3 =	vand.u32 $0x7, v3  }
0x1c: {  	v3 =	vor.u32 v3, v4  }
0x1d: {  	v4 =	vperm.xlane v3, v0;
	_ =	sdelay $0x1  }
0x1e: {  	v4 =	vadd.s32 v1, v4;
	_ =	sdelay $0x3  }
0x1f: {  	v3 =	vperm.xlane v3, v2  }
0x20: {  	[tilespmem:s8], [sflag:$0x1] =	stream.indirect_vreg.gather [hbm4b:s3+s2], $0x80, v4, vm0, $0xb8;
	[tilespmem:$0xC080] =	vst v63  }
0x21: {  	s1 =	rddreg [dreg:$0x5];
	v3 =	vadd.s32 v1, v3  }
0x22: {  	[tilespmem:s1], [sflag:$0x1] =	stream.indirect_vreg.gather [hbm4b:s4+s2], $0x80, v4, vm0, $0xb8;
	[tilespmem:$0xC080] =	vst v63  }
0x23: {  	_ = 	snop  }
0x24: {  	[tilespmem:s9], [sflag:$0x1] =	stream.indirect_vreg.gather [hbm4b:s5+s2], $0x80, v4, vm0, $0xb8;
	[tilespmem:$0xC080] =	vst v63  }
0x25: {  	_ = 	snop  }
0x26: {  	[tilespmem:s10], [sflag:$0x1] =	stream.indirect_vreg.gather [hbm4b:s3+s2], $0x80, v3, vm0, $0xb8;
	[tilespmem:$0xC080] =	vst v63  }
0x27: {  	_ = 	snop  }
0x28: {  	[tilespmem:s11], [sflag:$0x1] =	stream.indirect_vreg.gather [hbm4b:s4+s2], $0x80, v3, vm0, $0xb8;
	[tilespmem:$0xC080] =	vst v63  }
0x29: {  	_ = 	snop  }
0x2a: {  	[tilespmem:s12], [sflag:$0x1] =	stream.indirect_vreg.gather [hbm4b:s5+s2], $0x80, v3, vm0, $0xb8;
	[tilespmem:$0xC080] =	vst v63  }
0x2b: {  	v3 =	vld [tilespmem:$0x10];
	_ =	sdelay $0x4  }
0x2c: {  	v61 =	vshrl.u32 v3, $0x3  }
0x2d: {  	v4 =	vmul.u32 $0x30, v61  }
0x2e: {  	v3 =	vand.u32 $0x7, v3  }
0x2f: {  	v3 =	vor.u32 v3, v4  }
0x30: {  	v4 =	vperm.xlane v3, v0;
	_ =	sdelay $0x1  }
0x31: {  	v4 =	vadd.s32 v1, v4;
	_ =	sdelay $0x3  }
0x32: {  	v3 =	vperm.xlane v3, v2  }
0x33: {  	[tilespmem:s13], [sflag:$0x1] =	stream.indirect_vreg.gather [hbm4b:s3+s2], $0x80, v4, vm0, $0xb8;
	[tilespmem:$0xC080] =	vst v63  }
0x34: {  	v3 =	vadd.s32 v1, v3  }
0x35: {  	[tilespmem:s14], [sflag:$0x1] =	stream.indirect_vreg.gather [hbm4b:s4+s2], $0x80, v4, vm0, $0xb8;
	[tilespmem:$0xC080] =	vst v63  }
0x36: {  	_ = 	snop  }
0x37: {  	[tilespmem:s15], [sflag:$0x1] =	stream.indirect_vreg.gather [hbm4b:s5+s2], $0x80, v4, vm0, $0xb8;
	[tilespmem:$0xC080] =	vst v63  }
0x38: {  	_ = 	snop  }
0x39: {  	[tilespmem:s16], [sflag:$0x1] =	stream.indirect_vreg.gather [hbm4b:s3+s2], $0x80, v3, vm0, $0xb8;
	[tilespmem:$0xC080] =	vst v63  }
0x3a: {  	_ = 	snop  }
0x3b: {  	[tilespmem:s17], [sflag:$0x1] =	stream.indirect_vreg.gather [hbm4b:s4+s2], $0x80, v3, vm0, $0xb8;
	[tilespmem:$0xC080] =	vst v63  }
0x3c: {  	_ = 	snop  }
0x3d: {  	[tilespmem:s18], [sflag:$0x1] =	stream.indirect_vreg.gather [hbm4b:s5+s2], $0x80, v3, vm0, $0xb8;
	[tilespmem:$0xC080] =	vst v63  }
0x3e: {  	v3 =	vld [tilespmem:$0x20];
	_ =	sdelay $0x4  }
0x3f: {  	v62 =	vshrl.u32 v3, $0x3  }
0x40: {  	v4 =	vmul.u32 $0x30, v62  }
0x41: {  	v3 =	vand.u32 $0x7, v3  }
0x42: {  	v3 =	vor.u32 v3, v4  }
0x43: {  	v4 =	vperm.xlane v3, v0;
	_ =	sdelay $0x1  }
0x44: {  	v4 =	vadd.s32 v1, v4;
	_ =	sdelay $0x3  }
0x45: {  	v3 =	vperm.xlane v3, v2  }
0x46: {  	[tilespmem:s19], [sflag:$0x1] =	stream.indirect_vreg.gather [hbm4b:s3+s2], $0x80, v4, vm0, $0xb8;
	[tilespmem:$0xC080] =	vst v63  }
0x47: {  	v3 =	vadd.s32 v1, v3  }
0x48: {  	[tilespmem:s20], [sflag:$0x1] =	stream.indirect_vreg.gather [hbm4b:s4+s2], $0x80, v4, vm0, $0xb8;
	[tilespmem:$0xC080] =	vst v63  }
0x49: {  	_ = 	snop  }
0x4a: {  	[tilespmem:s21], [sflag:$0x1] =	stream.indirect_vreg.gather [hbm4b:s5+s2], $0x80, v4, vm0, $0xb8;
	[tilespmem:$0xC080] =	vst v63  }
0x4b: {  	_ = 	snop  }
0x4c: {  	[tilespmem:s22], [sflag:$0x1] =	stream.indirect_vreg.gather [hbm4b:s3+s2], $0x80, v3, vm0, $0xb8;
	[tilespmem:$0xC080] =	vst v63  }
0x4d: {  	_ = 	snop  }
0x4e: {  	[tilespmem:s23], [sflag:$0x1] =	stream.indirect_vreg.gather [hbm4b:s4+s2], $0x80, v3, vm0, $0xb8;
	[tilespmem:$0xC080] =	vst v63  }
0x4f: {  	_ = 	snop  }
0x50: {  	[tilespmem:s24], [sflag:$0x1] =	stream.indirect_vreg.gather [hbm4b:s5+s2], $0x80, v3, vm0, $0xb8;
	[tilespmem:$0xC080] =	vst v63  }
0x51: {  	v3 =	vld [tilespmem:$0x30];
	_ =	sdelay $0x4  }
0x52: {  	v63 =	vshrl.u32 v3, $0x3  }
0x53: {  	v4 =	vmul.u32 $0x30, v63  }
0x54: {  	v3 =	vand.u32 $0x7, v3  }
0x55: {  	v3 =	vor.u32 v3, v4  }
0x56: {  	v4 =	vperm.xlane v3, v0;
	_ =	sdelay $0x1  }
0x57: {  	v4 =	vadd.s32 v1, v4;
	_ =	sdelay $0x3  }
0x58: {  	v3 =	vperm.xlane v3, v2  }
0x59: {  	[tilespmem:s25], [sflag:$0x1] =	stream.indirect_vreg.gather [hbm4b:s3+s2], $0x80, v4, vm0, $0xb8;
	[tilespmem:$0xC080] =	vst v63  }
0x5a: {  	v3 =	vadd.s32 v1, v3  }
0x5b: {  	[tilespmem:s26], [sflag:$0x1] =	stream.indirect_vreg.gather [hbm4b:s4+s2], $0x80, v4, vm0, $0xb8;
	[tilespmem:$0xC080] =	vst v63  }
0x5c: {  	_ = 	snop  }
0x5d: {  	[tilespmem:s28], [sflag:$0x1] =	stream.indirect_vreg.gather [hbm4b:s5+s2], $0x80, v4, vm0, $0xb8;
	[tilespmem:$0xC080] =	vst v63  }
0x5e: {  	_ = 	snop  }
0x5f: {  	[tilespmem:s29], [sflag:$0x1] =	stream.indirect_vreg.gather [hbm4b:s3+s2], $0x80, v3, vm0, $0xb8;
	[tilespmem:$0xC080] =	vst v63  }
0x60: {  	_ = 	snop  }
0x61: {  	[tilespmem:s30], [sflag:$0x1] =	stream.indirect_vreg.gather [hbm4b:s4+s2], $0x80, v3, vm0, $0xb8;
	[tilespmem:$0xC080] =	vst v63  }
0x62: {  	_ = 	snop  }
0x63: {  	[tilespmem:s31], [sflag:$0x1] =	stream.indirect_vreg.gather [hbm4b:s5+s2], $0x80, v3, vm0, $0xb8;
	[tilespmem:$0xC080] =	vst v63  }
0x64: {  	_ =	swait.ge [sflag:s0], $0xC000  }
0x65: {  	p0 =	sne.s32 s6, $0x1;
	[sflag:s0] =	ssyncset.done $0x0  }
.Ltmp0:
0x66: {  	s1 =	rddreg [dreg:$0x4];
	[sflag:s0] =	ssyncadd.s32 $0xFFFF4000;
	(pc) =	sbr.rel @p0 .LBB2_1-.Ltmp0, $4  }
0x67: {  	[hbm4b:s1+s2] =	stream.linear.scatter [tilespmem:s8], [sflag:$0x2], $0xC000, $0x38;
	[tilespmem:$0xC080] =	vst v63  }
0x68: {  	_ =	swait.ge [sflag:s7], $0xC000  }
0x69: {  	[sflag:s7] =	ssyncset.done $0x0  }
0x6a: {  	s6 =	sadd.s32 $0xFFFFFFFF, s6;
	[sflag:s7] =	ssyncadd.s32 $0xFFFF4000  }
0x6b: {  	_ =	sfence.sel $0x180000  }
0x6c: {  	[bflag:$0x0] =	sbarrier.arrive $0xFFFF  }
0x6d: {  	_ =	strace $0x9000004A  }
0x6e: {  	s0 =	stileid.u32;
	[bflag:$0x2] =	sbarrier.arrive $0xFFFF  }
0x6f: {  	p0 =	sne.s32 s0, $0x0;
	s0 =	rddreg [dreg:$0x2]  }
0x70: {  	s0 =	sadd.s32 @!p0 $0x100000, s0  }
0x71: {  	[sflag:s0] =	ssyncadd.tile.s32 @!p0 $0x1;
	_ =	shalt  }
.Lfunc_end2:
_tile_overlayer_lowered:
.L_overlay_start_2:
0x72: {  	(tag) =	ssettag $0x2  }
0x73: {  	s0 =	rddreg [dreg:$0x0];
	s2 =	stileid.u32  }
0x74: {  	s1 =	rddreg [dreg:$0x1];
	p0 =	sne.s32 s2, $0x0  }
0x75: {  	s3 =	rddreg [dreg:$0x2];
	[bflag:$0x3] =	sbarrier.arrive $0xFFFF;
	s2 =	simm.s32 @!p0 $0x1C02  }
0x76: {  	[timem:s3], [sflag:s2] =	dma.local @!p0 [hbm:s0], s1  }
0x77: {  	s0 =	simm.s32 @!p0 $0x2  }
0x78: {  	_ =	swait.ge @!p0 [sflag:s0], s1  }
0x79: {  	s1 =	ssub.s32 @!p0 $0x0, s1;
	[sflag:s0] =	ssyncset.done @!p0 $0x0  }
0x7a: {  	[sflag:s0] =	ssyncadd.s32 @!p0 s1  }
0x7b: {  	[bflag:$0x3] =	sbarrier.arrive $0xFFFF  }
0x7c: {  	_ =	shalt  }

</sc_bundles>
